<compile_context>
chip_gen: v7x
topology: tpu7x:2x2x1
jax: 0.10.2.dev20260603
libtpu: 0.0.44.dev20260713+nightly
codegen_flags: <defaults>
</compile_context>

<pallas_src>
import functools

import jax
import jax.numpy as jnp
from jax import lax
from jax.experimental import pallas as pl
from jax.experimental.pallas import tpu as pltpu
from jax.experimental.pallas import tpu_sc as plsc

D = 64
CHUNK = 400
LANES = 16


@functools.lru_cache(maxsize=None)
def _make_sc_kernel(R):
    T = R // CHUNK
    assert T * CHUNK == R
    info = plsc.get_sparse_core_info()
    NC, NS = info.num_cores, info.num_subcores
    NW = NC * NS
    NCH_MAX = -(-T // NW)
    mesh = plsc.VectorSubcoreMesh(core_axis_name="c", subcore_axis_name="s")

    @functools.partial(
        pl.kernel,
        out_type=jax.ShapeDtypeStruct((NW, LANES), jnp.float32),
        mesh=mesh,
        compiler_params=pltpu.CompilerParams(
            needs_layout_passes=False, use_tc_tiling_on_sc=False
        ),
        scratch_types=[
            pltpu.VMEM((NCH_MAX * CHUNK,), jnp.int32),
            pltpu.VMEM((NCH_MAX * CHUNK,), jnp.int32),
            pltpu.VMEM((CHUNK, D), jnp.bfloat16),
            pltpu.VMEM((CHUNK, D), jnp.bfloat16),
            pltpu.VMEM((CHUNK, D), jnp.bfloat16),
            pltpu.VMEM((CHUNK, D), jnp.bfloat16),
            pltpu.VMEM((CHUNK,), jnp.int32),
            pltpu.VMEM((CHUNK,), jnp.int32),
            pltpu.VMEM((CHUNK,), jnp.int32),
            pltpu.VMEM((CHUNK,), jnp.int32),
            pltpu.VMEM((CHUNK, LANES), jnp.float32),
            pltpu.VMEM((LANES,), jnp.float32),
            pltpu.VMEM((LANES,), jnp.float32),
            pltpu.SemaphoreType.DMA,
            pltpu.SemaphoreType.DMA,
        ],
    )
    def sc_kernel(emb, src, dst, pid, marg, out,
                  idx_s, idx_d, rs_a, rd_a, rs_b, rd_b,
                  ps_a, pd_a, ps_b, pd_b, dbuf, marg_v, acc, sem_a, sem_b):
        wid = lax.axis_index("s") * NC + lax.axis_index("c")
        start = (wid * T) // NW
        end = ((wid + 1) * T) // NW
        nch = end - start

        pltpu.sync_copy(marg, marg_v)
        mv = marg_v[...]
        zero = jnp.zeros((LANES,), jnp.float32)
        acc[...] = zero
        iota = lax.iota(jnp.int32, LANES)

        pltpu.sync_copy(src.at[pl.ds(start * CHUNK, NCH_MAX * CHUNK)], idx_s)
        pltpu.sync_copy(dst.at[pl.ds(start * CHUNK, NCH_MAX * CHUNK)], idx_d)

        def fire(j, rs, rd, ps, pd_, sem):
            off = j * CHUNK
            i_s = idx_s.at[pl.ds(off, CHUNK)]
            i_d = idx_d.at[pl.ds(off, CHUNK)]
            pltpu.async_copy(emb.at[i_s], rs, sem)
            pltpu.async_copy(emb.at[i_d], rd, sem)
            pltpu.async_copy(pid.at[i_s], ps, sem)
            pltpu.async_copy(pid.at[i_d], pd_, sem)

        def drain(rs, rd, ps, pd_, sem):
            pltpu.make_async_copy(emb.at[idx_s.at[pl.ds(0, CHUNK)]], rs, sem).wait()
            pltpu.make_async_copy(emb.at[idx_s.at[pl.ds(0, CHUNK)]], rd, sem).wait()
            pltpu.make_async_copy(pid.at[idx_s.at[pl.ds(0, CHUNK)]], ps, sem).wait()
            pltpu.make_async_copy(pid.at[idx_s.at[pl.ds(0, CHUNK)]], pd_, sem).wait()

        def compute(rs, rd, ps, pd_):
            @plsc.parallel_loop(0, CHUNK, unroll=2)
            def _edges(j):
                sq = [None] * 4
                for q in range(2):
                    a = rs[j, pl.ds(32 * q, 32)]
                    b = rd[j, pl.ds(32 * q, 32)]
                    df = a - b
                    lo, hi = plsc.unpack(df, format=plsc.PackFormat.INTERLEAVED)
                    sq[2 * q] = lo * lo
                    sq[2 * q + 1] = hi * hi
                s = (sq[0] + sq[1]) + (sq[2] + sq[3])
                dbuf[j, pl.ds(0, LANES)] = jnp.cumsum(s)

            @plsc.parallel_loop(0, CHUNK // LANES, carry=acc[...])
            def _group(g, a):
                row = iota + g * LANES
                lane15 = jnp.full((LANES,), LANES - 1, jnp.int32)
                dvec = plsc.load_gather(dbuf, [row, lane15])
                pvs = plsc.load_gather(ps, [row])
                pvd = plsc.load_gather(pd_, [row])
                hinge = jnp.maximum(zero, mv - dvec)
                loss = jnp.where(pvs == pvd, dvec, hinge)
                return a + loss

            acc[...] = _group

        fire(jnp.int32(0), rs_a, rd_a, ps_a, pd_a, sem_a)

        def pair(i, carry):
            c0 = 2 * i
            fire(c0 + 1, rs_b, rd_b, ps_b, pd_b, sem_b)
            drain(rs_a, rd_a, ps_a, pd_a, sem_a)
            compute(rs_a, rd_a, ps_a, pd_a)

            @pl.when(c0 + 2 < nch)
            def _():
                fire(c0 + 2, rs_a, rd_a, ps_a, pd_a, sem_a)

            drain(rs_b, rd_b, ps_b, pd_b, sem_b)
            compute(rs_b, rd_b, ps_b, pd_b)
            return carry

        lax.fori_loop(0, nch // 2, pair, jnp.int32(0))

        @pl.when(nch % 2 == 1)
        def _():
            drain(rs_a, rd_a, ps_a, pd_a, sem_a)
            compute(rs_a, rd_a, ps_a, pd_a)

        pltpu.sync_copy(acc, out.at[wid])

    return sc_kernel


def kernel(embeddings, pid, edges, margin, randomisation):
    R = edges.shape[1]
    src = edges[0]
    dst = edges[1]
    emb_bf = embeddings.astype(jnp.bfloat16)
    marg16 = jnp.broadcast_to(jnp.asarray(margin, jnp.float32), (LANES,))
    partials = _make_sc_kernel(R)(emb_bf, src, dst, pid, marg16)
    return jnp.sum(partials) / jnp.float32(R)

# --- scband reference (transcript-rebuilt; emitter-appended) ---
"""Pipeline reference for scband-random-contrastive-loss-31628139168316 (READ-ONLY COPY).

The authoritative reference and input builder live on the scoring server;
editing this copy changes nothing except your own understanding.
"""

import jax, jax.numpy as jnp
import numpy as np

N = 100000
D = 64
R = 1000000
NPID = 5000


def setup_inputs(seed: int = 0) -> dict:
    key = jax.random.key(seed)
    k1, k2, k3 = jax.random.split(key, 3)
    embeddings = jax.random.normal(k1, (N, D), dtype=jnp.float32)
    pid = jax.random.randint(k2, (N,), 0, NPID, dtype=jnp.int32)
    # In the torch module these edges are drawn with torch.randint inside forward;
    # we materialize the same random pairs here so the reference is deterministic.
    edges = jax.random.randint(k3, (2, R), 0, N, dtype=jnp.int32)
    margin = jnp.asarray(1.0, dtype=jnp.float32)
    return {
        "embeddings": embeddings,
        "pid": pid,
        "edges": edges,
        "margin": margin,
        "randomisation": R,
    }


def _hinge_loss(embeddings, pid, edges, margin):
    src = edges[0]
    dst = edges[1]
    # squared euclidean distance between paired hit embeddings (gather on nodes)
    diff = jnp.take(embeddings, src, axis=0) - jnp.take(embeddings, dst, axis=0)
    d = jnp.sum(diff * diff, axis=-1)
    # truth: pair of hits belongs to the same particle -> attract, else repel
    y_pos = jnp.take(pid, src, axis=0) == jnp.take(pid, dst, axis=0)
    # hinge embedding loss: d for positives, relu(margin - d) for negatives
    loss = jnp.where(y_pos, d, jnp.maximum(0.0, margin - d))
    return jnp.mean(loss)


def reference(embeddings, pid, edges, margin, randomisation):
    # forward of random_contrastive_loss: random edges -> hinge_loss; returns res['loss']
    loss = _hinge_loss(embeddings, pid, edges, margin)
    return loss

if __name__ == "__main__":
    import jax
    _d = setup_inputs()
    print(jax.jit(kernel)(*tuple(_d.values())))

</pallas_src>

<mosaic_0001>
#map = affine_map<(d0, d1) -> (0, 0)>
#map1 = affine_map<(d0, d1) -> (0)>
module attributes {stable_mosaic.version = 14 : i64} {
  func.func @sc_kernel(%arg0: i32, %arg1: i32, %arg2: memref<100000x64xbf16, #tpu.memory_space<hbm>>, %arg3: memref<1000000xi32, #tpu.memory_space<hbm>>, %arg4: memref<1000000xi32, #tpu.memory_space<hbm>>, %arg5: memref<100000xi32, #tpu.memory_space<hbm>>, %arg6: memref<16xf32, #tpu.memory_space<hbm>>, %arg7: memref<32x16xf32, #tpu.memory_space<hbm>>, %arg8: memref<31600xi32, #tpu.memory_space<vmem>>, %arg9: memref<31600xi32, #tpu.memory_space<vmem>>, %arg10: memref<400x64xbf16, #tpu.memory_space<vmem>>, %arg11: memref<400x64xbf16, #tpu.memory_space<vmem>>, %arg12: memref<400x64xbf16, #tpu.memory_space<vmem>>, %arg13: memref<400x64xbf16, #tpu.memory_space<vmem>>, %arg14: memref<400xi32, #tpu.memory_space<vmem>>, %arg15: memref<400xi32, #tpu.memory_space<vmem>>, %arg16: memref<400xi32, #tpu.memory_space<vmem>>, %arg17: memref<400xi32, #tpu.memory_space<vmem>>, %arg18: memref<400x16xf32, #tpu.memory_space<vmem>>, %arg19: memref<16xf32, #tpu.memory_space<vmem>>, %arg20: memref<16xf32, #tpu.memory_space<vmem>>, %arg21: memref<!tpu.dma_semaphore, #tpu.memory_space<semaphore_mem>>, %arg22: memref<!tpu.dma_semaphore, #tpu.memory_space<semaphore_mem>>) attributes {dimension_semantics = [#tpu.dimension_semantics<core_parallel>, #tpu.dimension_semantics<subcore_parallel>], iteration_bounds = array<i64: 2, 16>, scalar_prefetch = 0 : i64, scratch_operands = 15 : i64, tpu.core_type = #tpu.core_type<sc_vector_subcore>, window_params = [{transform_indices = #map}, {transform_indices = #map1}, {transform_indices = #map1}, {transform_indices = #map1}, {transform_indices = #map1}, {transform_indices = #map}]} {
    %mul3A = arith.constant 2 : i32
    %mul3A_0 = arith.muli %arg1, %mul3A : i32
    %add3A = arith.addi %mul3A_0, %arg0 : i32
    %mul3A_1 = arith.constant 2500 : i32
    %mul3A_2 = arith.muli %add3A, %mul3A_1 : i32
    %jit3A = arith.constant 32 : i32
    %div3A = arith.divsi %mul3A_2, %jit3A : i32
    %sign3A = arith.constant 0 : i32
    %sign3A_3 = arith.cmpi sgt, %mul3A_2, %sign3A : i32
    %sign3A_4 = arith.extui %sign3A_3 : i1 to i32
    %sign3A_5 = arith.constant 0 : i32
    %sign3A_6 = arith.cmpi slt, %mul3A_2, %sign3A_5 : i32
    %sign3A_7 = arith.extui %sign3A_6 : i1 to i32
    %sign3A_8 = arith.subi %sign3A_4, %sign3A_7 : i32
    %sign3A_9 = arith.constant 0 : i32
    %sign3A_10 = arith.cmpi sgt, %jit3A, %sign3A_9 : i32
    %sign3A_11 = arith.extui %sign3A_10 : i1 to i32
    %sign3A_12 = arith.constant 0 : i32
    %sign3A_13 = arith.cmpi slt, %jit3A, %sign3A_12 : i32
    %sign3A_14 = arith.extui %sign3A_13 : i1 to i32
    %sign3A_15 = arith.subi %sign3A_11, %sign3A_14 : i32
    %ne3A = arith.cmpi ne, %sign3A_8, %sign3A_15 : i32
    %rem3A = arith.remsi %mul3A_2, %jit3A : i32
    %ne3A_16 = arith.constant 0 : i32
    %ne3A_17 = arith.cmpi ne, %rem3A, %ne3A_16 : i32
    %and3A = arith.andi %ne3A, %ne3A_17 : i1
    %sub3A = arith.constant 1 : i32
    %sub3A_18 = arith.subi %div3A, %sub3A : i32
    %select_n3A = arith.select %and3A, %sub3A_18, %div3A : i32
    %add3A_19 = arith.constant 1 : i32
    %add3A_20 = arith.addi %add3A, %add3A_19 : i32
    %mul3A_21 = arith.constant 2500 : i32
    %mul3A_22 = arith.muli %add3A_20, %mul3A_21 : i32
    %jit3A_23 = arith.constant 32 : i32
    %div3A_24 = arith.divsi %mul3A_22, %jit3A_23 : i32
    %sign3A_25 = arith.constant 0 : i32
    %sign3A_26 = arith.cmpi sgt, %mul3A_22, %sign3A_25 : i32
    %sign3A_27 = arith.extui %sign3A_26 : i1 to i32
    %sign3A_28 = arith.constant 0 : i32
    %sign3A_29 = arith.cmpi slt, %mul3A_22, %sign3A_28 : i32
    %sign3A_30 = arith.extui %sign3A_29 : i1 to i32
    %sign3A_31 = arith.subi %sign3A_27, %sign3A_30 : i32
    %sign3A_32 = arith.constant 0 : i32
    %sign3A_33 = arith.cmpi sgt, %jit3A_23, %sign3A_32 : i32
    %sign3A_34 = arith.extui %sign3A_33 : i1 to i32
    %sign3A_35 = arith.constant 0 : i32
    %sign3A_36 = arith.cmpi slt, %jit3A_23, %sign3A_35 : i32
    %sign3A_37 = arith.extui %sign3A_36 : i1 to i32
    %sign3A_38 = arith.subi %sign3A_34, %sign3A_37 : i32
    %ne3A_39 = arith.cmpi ne, %sign3A_31, %sign3A_38 : i32
    %rem3A_40 = arith.remsi %mul3A_22, %jit3A_23 : i32
    %ne3A_41 = arith.constant 0 : i32
    %ne3A_42 = arith.cmpi ne, %rem3A_40, %ne3A_41 : i32
    %and3A_43 = arith.andi %ne3A_39, %ne3A_42 : i1
    %sub3A_44 = arith.constant 1 : i32
    %sub3A_45 = arith.subi %div3A_24, %sub3A_44 : i32
    %select_n3A_46 = arith.select %and3A_43, %sub3A_45, %div3A_24 : i32
    %sub3A_47 = arith.subi %select_n3A_46, %select_n3A : i32
    "tpu.region"() ({
      %run_scoped3A = tpu.sem_alloc : memref<!tpu.dma_semaphore, #tpu.memory_space<semaphore_mem>>
      tpu.enqueue_dma source(%arg6 : memref<16xf32, #tpu.memory_space<hbm>>) target(%arg19 : memref<16xf32, #tpu.memory_space<vmem>>) target_semaphore(%run_scoped3A : memref<!tpu.dma_semaphore, #tpu.memory_space<semaphore_mem>>)
      tpu.wait_dma2 semaphore(%run_scoped3A : memref<!tpu.dma_semaphore, #tpu.memory_space<semaphore_mem>>) src(%arg6 : memref<16xf32, #tpu.memory_space<hbm>>) dst(%arg19 : memref<16xf32, #tpu.memory_space<vmem>>)
      tpu.yield
    }) : () -> ()
    %get3A = arith.constant 0 : index
    %get3A_48 = tpu.vector_load %arg19[%get3A] {strides = array<i32>} : memref<16xf32, #tpu.memory_space<vmem>>, vector<16xf32>,
    %broadcast_in_dim3A = arith.constant 0.000000e+00 : f32
    %broadcast_in_dim3A_49 = vector.broadcast %broadcast_in_dim3A : f32 to vector<16xf32>
    %swap3A = arith.constant 0 : index
    %swap3A_50 = tpu.vector_load %arg20[%swap3A] {strides = array<i32>} : memref<16xf32, #tpu.memory_space<vmem>>, vector<16xf32>,
    tpu.vector_store %arg20[%swap3A], %broadcast_in_dim3A_49 {strides = array<i32>} : memref<16xf32, #tpu.memory_space<vmem>>, vector<16xf32>,
    %iota3A = tpu.iota {dimensions = array<i32: 0>} : vector<16xi32>
    %mul3A_51 = arith.constant 400 : i32
    %mul3A_52 = arith.muli %select_n3A, %mul3A_51 : i32
    "tpu.region"() ({
      %run_scoped3A = tpu.sem_alloc : memref<!tpu.dma_semaphore, #tpu.memory_space<semaphore_mem>>
      %dma_start3A_121 = tpu.memref_slice %arg3[%mul3A_52] : memref<1000000xi32, #tpu.memory_space<hbm>> -> memref<31600xi32, #tpu.memory_space<hbm>>
      %dma_start3A_122 = tpu.memref_slice %arg3[%mul3A_52] : memref<1000000xi32, #tpu.memory_space<hbm>> -> memref<31600xi32, #tpu.memory_space<hbm>>
      tpu.enqueue_dma source(%dma_start3A_122 : memref<31600xi32, #tpu.memory_space<hbm>>) target(%arg8 : memref<31600xi32, #tpu.memory_space<vmem>>) target_semaphore(%run_scoped3A : memref<!tpu.dma_semaphore, #tpu.memory_space<semaphore_mem>>)
      %dma_wait3A = tpu.memref_slice %arg3[%mul3A_52] : memref<1000000xi32, #tpu.memory_space<hbm>> -> memref<31600xi32, #tpu.memory_space<hbm>>
      %dma_wait3A_123 = tpu.memref_slice %arg3[%mul3A_52] : memref<1000000xi32, #tpu.memory_space<hbm>> -> memref<31600xi32, #tpu.memory_space<hbm>>
      tpu.wait_dma2 semaphore(%run_scoped3A : memref<!tpu.dma_semaphore, #tpu.memory_space<semaphore_mem>>) src(%dma_wait3A_123 : memref<31600xi32, #tpu.memory_space<hbm>>) dst(%arg8 : memref<31600xi32, #tpu.memory_space<vmem>>)
      tpu.yield
    }) : () -> ()
    %mul3A_53 = arith.constant 400 : i32
    %mul3A_54 = arith.muli %select_n3A, %mul3A_53 : i32
    "tpu.region"() ({
      %run_scoped3A = tpu.sem_alloc : memref<!tpu.dma_semaphore, #tpu.memory_space<semaphore_mem>>
      %dma_start3A_121 = tpu.memref_slice %arg4[%mul3A_54] : memref<1000000xi32, #tpu.memory_space<hbm>> -> memref<31600xi32, #tpu.memory_space<hbm>>
      %dma_start3A_122 = tpu.memref_slice %arg4[%mul3A_54] : memref<1000000xi32, #tpu.memory_space<hbm>> -> memref<31600xi32, #tpu.memory_space<hbm>>
      tpu.enqueue_dma source(%dma_start3A_122 : memref<31600xi32, #tpu.memory_space<hbm>>) target(%arg9 : memref<31600xi32, #tpu.memory_space<vmem>>) target_semaphore(%run_scoped3A : memref<!tpu.dma_semaphore, #tpu.memory_space<semaphore_mem>>)
      %dma_wait3A = tpu.memref_slice %arg4[%mul3A_54] : memref<1000000xi32, #tpu.memory_space<hbm>> -> memref<31600xi32, #tpu.memory_space<hbm>>
      %dma_wait3A_123 = tpu.memref_slice %arg4[%mul3A_54] : memref<1000000xi32, #tpu.memory_space<hbm>> -> memref<31600xi32, #tpu.memory_space<hbm>>
      tpu.wait_dma2 semaphore(%run_scoped3A : memref<!tpu.dma_semaphore, #tpu.memory_space<semaphore_mem>>) src(%dma_wait3A_123 : memref<31600xi32, #tpu.memory_space<hbm>>) dst(%arg9 : memref<31600xi32, #tpu.memory_space<vmem>>)
      tpu.yield
    }) : () -> ()
    %mul3A_55 = arith.constant 0 : i32
    %mul3A_56 = arith.constant 400 : i32
    %mul3A_57 = arith.muli %mul3A_55, %mul3A_56 : i32
    %dma_start3A = tpu.memref_slice %arg8[%mul3A_57] : memref<31600xi32, #tpu.memory_space<vmem>> -> memref<400xi32, #tpu.memory_space<vmem>>
    %dma_start3A_58 = arith.constant 0 : i32
    %dma_start3A_59 = arith.constant 0 : i32
    %dma_start3A_60 = tpu.memref_slice %arg2[%dma_start3A_58, %dma_start3A_59] : memref<100000x64xbf16, #tpu.memory_space<hbm>> -> memref<100000x64xbf16, #tpu.memory_space<hbm>>
    tpu.enqueue_indirect_dma source(%dma_start3A_60 : memref<100000x64xbf16, #tpu.memory_space<hbm>>) target(%arg10 : memref<400x64xbf16, #tpu.memory_space<vmem>>) offsets(%dma_start3A : memref<400xi32, #tpu.memory_space<vmem>>) semaphore(%arg21 : memref<!tpu.dma_semaphore, #tpu.memory_space<semaphore_mem>>)
    %dma_start3A_61 = tpu.memref_slice %arg9[%mul3A_57] : memref<31600xi32, #tpu.memory_space<vmem>> -> memref<400xi32, #tpu.memory_space<vmem>>
    %dma_start3A_62 = arith.constant 0 : i32
    %dma_start3A_63 = arith.constant 0 : i32
    %dma_start3A_64 = tpu.memref_slice %arg2[%dma_start3A_62, %dma_start3A_63] : memref<100000x64xbf16, #tpu.memory_space<hbm>> -> memref<100000x64xbf16, #tpu.memory_space<hbm>>
    tpu.enqueue_indirect_dma source(%dma_start3A_64 : memref<100000x64xbf16, #tpu.memory_space<hbm>>) target(%arg11 : memref<400x64xbf16, #tpu.memory_space<vmem>>) offsets(%dma_start3A_61 : memref<400xi32, #tpu.memory_space<vmem>>) semaphore(%arg21 : memref<!tpu.dma_semaphore, #tpu.memory_space<semaphore_mem>>)
    %dma_start3A_65 = tpu.memref_slice %arg8[%mul3A_57] : memref<31600xi32, #tpu.memory_space<vmem>> -> memref<400xi32, #tpu.memory_space<vmem>>
    %dma_start3A_66 = arith.constant 0 : i32
    %dma_start3A_67 = tpu.memref_slice %arg5[%dma_start3A_66] : memref<100000xi32, #tpu.memory_space<hbm>> -> memref<100000xi32, #tpu.memory_space<hbm>>
    tpu.enqueue_indirect_dma source(%dma_start3A_67 : memref<100000xi32, #tpu.memory_space<hbm>>) target(%arg14 : memref<400xi32, #tpu.memory_space<vmem>>) offsets(%dma_start3A_65 : memref<400xi32, #tpu.memory_space<vmem>>) semaphore(%arg21 : memref<!tpu.dma_semaphore, #tpu.memory_space<semaphore_mem>>)
    %dma_start3A_68 = tpu.memref_slice %arg9[%mul3A_57] : memref<31600xi32, #tpu.memory_space<vmem>> -> memref<400xi32, #tpu.memory_space<vmem>>
    %dma_start3A_69 = arith.constant 0 : i32
    %dma_start3A_70 = tpu.memref_slice %arg5[%dma_start3A_69] : memref<100000xi32, #tpu.memory_space<hbm>> -> memref<100000xi32, #tpu.memory_space<hbm>>
    tpu.enqueue_indirect_dma source(%dma_start3A_70 : memref<100000xi32, #tpu.memory_space<hbm>>) target(%arg15 : memref<400xi32, #tpu.memory_space<vmem>>) offsets(%dma_start3A_68 : memref<400xi32, #tpu.memory_space<vmem>>) semaphore(%arg21 : memref<!tpu.dma_semaphore, #tpu.memory_space<semaphore_mem>>)
    %jit3A_71 = arith.constant 2 : i32
    %div3A_72 = arith.divsi %sub3A_47, %jit3A_71 : i32
    %sign3A_73 = arith.constant 0 : i32
    %sign3A_74 = arith.cmpi sgt, %sub3A_47, %sign3A_73 : i32
    %sign3A_75 = arith.extui %sign3A_74 : i1 to i32
    %sign3A_76 = arith.constant 0 : i32
    %sign3A_77 = arith.cmpi slt, %sub3A_47, %sign3A_76 : i32
    %sign3A_78 = arith.extui %sign3A_77 : i1 to i32
    %sign3A_79 = arith.subi %sign3A_75, %sign3A_78 : i32
    %sign3A_80 = arith.constant 0 : i32
    %sign3A_81 = arith.cmpi sgt, %jit3A_71, %sign3A_80 : i32
    %sign3A_82 = arith.extui %sign3A_81 : i1 to i32
    %sign3A_83 = arith.constant 0 : i32
    %sign3A_84 = arith.cmpi slt, %jit3A_71, %sign3A_83 : i32
    %sign3A_85 = arith.extui %sign3A_84 : i1 to i32
    %sign3A_86 = arith.subi %sign3A_82, %sign3A_85 : i32
    %ne3A_87 = arith.cmpi ne, %sign3A_79, %sign3A_86 : i32
    %rem3A_88 = arith.remsi %sub3A_47, %jit3A_71 : i32
    %ne3A_89 = arith.constant 0 : i32
    %ne3A_90 = arith.cmpi ne, %rem3A_88, %ne3A_89 : i32
    %and3A_91 = arith.andi %ne3A_87, %ne3A_90 : i1
    %sub3A_92 = arith.constant 1 : i32
    %sub3A_93 = arith.subi %div3A_72, %sub3A_92 : i32
    %select_n3A_94 = arith.select %and3A_91, %sub3A_93, %div3A_72 : i32
    %while3A = arith.constant 0 : i32
    %while3A_95 = arith.constant 0 : i32
    %while3A_96 = arith.subi %select_n3A_94, %while3A_95 : i32
    %while3A_97 = arith.addi %while3A_95, %while3A_96 : i32
    %while3A_98 = arith.constant 1 : i32
    %while3A_99 = arith.divsi %while3A_96, %while3A_98 : i32
    %while3A_100 = arith.muli %while3A_99, %while3A_98 : i32
    %while3A_101 = arith.addi %while3A_95, %while3A_100 : i32
    %while3A_102 = arith.constant 1 : i32
    scf.for %while3A_121 = %while3A_95 to %while3A_101 step %while3A_102  : i32 {
      %mul3A_122 = arith.constant 2 : i32
      %mul3A_123 = arith.muli %mul3A_122, %while3A_121 : i32
      %add3A_124 = arith.constant 1 : i32
      %add3A_125 = arith.addi %mul3A_123, %add3A_124 : i32
      %mul3A_126 = arith.constant 400 : i32
      %mul3A_127 = arith.muli %add3A_125, %mul3A_126 : i32
      %dma_start3A_128 = tpu.memref_slice %arg8[%mul3A_127] : memref<31600xi32, #tpu.memory_space<vmem>> -> memref<400xi32, #tpu.memory_space<vmem>>
      %dma_start3A_129 = arith.constant 0 : i32
      %dma_start3A_130 = arith.constant 0 : i32
      %dma_start3A_131 = tpu.memref_slice %arg2[%dma_start3A_129, %dma_start3A_130] : memref<100000x64xbf16, #tpu.memory_space<hbm>> -> memref<100000x64xbf16, #tpu.memory_space<hbm>>
      tpu.enqueue_indirect_dma source(%dma_start3A_131 : memref<100000x64xbf16, #tpu.memory_space<hbm>>) target(%arg12 : memref<400x64xbf16, #tpu.memory_space<vmem>>) offsets(%dma_start3A_128 : memref<400xi32, #tpu.memory_space<vmem>>) semaphore(%arg22 : memref<!tpu.dma_semaphore, #tpu.memory_space<semaphore_mem>>)
      %dma_start3A_132 = tpu.memref_slice %arg9[%mul3A_127] : memref<31600xi32, #tpu.memory_space<vmem>> -> memref<400xi32, #tpu.memory_space<vmem>>
      %dma_start3A_133 = arith.constant 0 : i32
      %dma_start3A_134 = arith.constant 0 : i32
      %dma_start3A_135 = tpu.memref_slice %arg2[%dma_start3A_133, %dma_start3A_134] : memref<100000x64xbf16, #tpu.memory_space<hbm>> -> memref<100000x64xbf16, #tpu.memory_space<hbm>>
      tpu.enqueue_indirect_dma source(%dma_start3A_135 : memref<100000x64xbf16, #tpu.memory_space<hbm>>) target(%arg13 : memref<400x64xbf16, #tpu.memory_space<vmem>>) offsets(%dma_start3A_132 : memref<400xi32, #tpu.memory_space<vmem>>) semaphore(%arg22 : memref<!tpu.dma_semaphore, #tpu.memory_space<semaphore_mem>>)
      %dma_start3A_136 = tpu.memref_slice %arg8[%mul3A_127] : memref<31600xi32, #tpu.memory_space<vmem>> -> memref<400xi32, #tpu.memory_space<vmem>>
      %dma_start3A_137 = arith.constant 0 : i32
      %dma_start3A_138 = tpu.memref_slice %arg5[%dma_start3A_137] : memref<100000xi32, #tpu.memory_space<hbm>> -> memref<100000xi32, #tpu.memory_space<hbm>>
      tpu.enqueue_indirect_dma source(%dma_start3A_138 : memref<100000xi32, #tpu.memory_space<hbm>>) target(%arg16 : memref<400xi32, #tpu.memory_space<vmem>>) offsets(%dma_start3A_136 : memref<400xi32, #tpu.memory_space<vmem>>) semaphore(%arg22 : memref<!tpu.dma_semaphore, #tpu.memory_space<semaphore_mem>>)
      %dma_start3A_139 = tpu.memref_slice %arg9[%mul3A_127] : memref<31600xi32, #tpu.memory_space<vmem>> -> memref<400xi32, #tpu.memory_space<vmem>>
      %dma_start3A_140 = arith.constant 0 : i32
      %dma_start3A_141 = tpu.memref_slice %arg5[%dma_start3A_140] : memref<100000xi32, #tpu.memory_space<hbm>> -> memref<100000xi32, #tpu.memory_space<hbm>>
      tpu.enqueue_indirect_dma source(%dma_start3A_141 : memref<100000xi32, #tpu.memory_space<hbm>>) target(%arg17 : memref<400xi32, #tpu.memory_space<vmem>>) offsets(%dma_start3A_139 : memref<400xi32, #tpu.memory_space<vmem>>) semaphore(%arg22 : memref<!tpu.dma_semaphore, #tpu.memory_space<semaphore_mem>>)
      %dma_wait3A = arith.constant 0 : i32
      %dma_wait3A_142 = tpu.memref_slice %arg8[%dma_wait3A] : memref<31600xi32, #tpu.memory_space<vmem>> -> memref<400xi32, #tpu.memory_space<vmem>>
      %dma_wait3A_143 = arith.constant 0 : i32
      %dma_wait3A_144 = arith.constant 0 : i32
      %dma_wait3A_145 = tpu.memref_slice %arg2[%dma_wait3A_143, %dma_wait3A_144] : memref<100000x64xbf16, #tpu.memory_space<hbm>> -> memref<100000x64xbf16, #tpu.memory_space<hbm>>
      tpu.wait_indirect_dma semaphore(%arg21 : memref<!tpu.dma_semaphore, #tpu.memory_space<semaphore_mem>>) src(%dma_wait3A_145 : memref<100000x64xbf16, #tpu.memory_space<hbm>>) dst(%arg10 : memref<400x64xbf16, #tpu.memory_space<vmem>>)
      %dma_wait3A_146 = arith.constant 0 : i32
      %dma_wait3A_147 = tpu.memref_slice %arg8[%dma_wait3A_146] : memref<31600xi32, #tpu.memory_space<vmem>> -> memref<400xi32, #tpu.memory_space<vmem>>
      %dma_wait3A_148 = arith.constant 0 : i32
      %dma_wait3A_149 = arith.constant 0 : i32
      %dma_wait3A_150 = tpu.memref_slice %arg2[%dma_wait3A_148, %dma_wait3A_149] : memref<100000x64xbf16, #tpu.memory_space<hbm>> -> memref<100000x64xbf16, #tpu.memory_space<hbm>>
      tpu.wait_indirect_dma semaphore(%arg21 : memref<!tpu.dma_semaphore, #tpu.memory_space<semaphore_mem>>) src(%dma_wait3A_150 : memref<100000x64xbf16, #tpu.memory_space<hbm>>) dst(%arg11 : memref<400x64xbf16, #tpu.memory_space<vmem>>)
      %dma_wait3A_151 = arith.constant 0 : i32
      %dma_wait3A_152 = tpu.memref_slice %arg8[%dma_wait3A_151] : memref<31600xi32, #tpu.memory_space<vmem>> -> memref<400xi32, #tpu.memory_space<vmem>>
      %dma_wait3A_153 = arith.constant 0 : i32
      %dma_wait3A_154 = tpu.memref_slice %arg5[%dma_wait3A_153] : memref<100000xi32, #tpu.memory_space<hbm>> -> memref<100000xi32, #tpu.memory_space<hbm>>
      tpu.wait_indirect_dma semaphore(%arg21 : memref<!tpu.dma_semaphore, #tpu.memory_space<semaphore_mem>>) src(%dma_wait3A_154 : memref<100000xi32, #tpu.memory_space<hbm>>) dst(%arg14 : memref<400xi32, #tpu.memory_space<vmem>>)
      %dma_wait3A_155 = arith.constant 0 : i32
      %dma_wait3A_156 = tpu.memref_slice %arg8[%dma_wait3A_155] : memref<31600xi32, #tpu.memory_space<vmem>> -> memref<400xi32, #tpu.memory_space<vmem>>
      %dma_wait3A_157 = arith.constant 0 : i32
      %dma_wait3A_158 = tpu.memref_slice %arg5[%dma_wait3A_157] : memref<100000xi32, #tpu.memory_space<hbm>> -> memref<100000xi32, #tpu.memory_space<hbm>>
      tpu.wait_indirect_dma semaphore(%arg21 : memref<!tpu.dma_semaphore, #tpu.memory_space<semaphore_mem>>) src(%dma_wait3A_158 : memref<100000xi32, #tpu.memory_space<hbm>>) dst(%arg15 : memref<400xi32, #tpu.memory_space<vmem>>)
      %parallel_loop3A = arith.constant 0 : i32
      %parallel_loop3A_159 = arith.constant 400 : i32
      %parallel_loop3A_160 = arith.constant 1 : i32
      scf.for %parallel_loop3A_204 = %parallel_loop3A to %parallel_loop3A_159 step %parallel_loop3A_160  : i32 {
        %parallel_loop3A_205 = arith.index_cast %parallel_loop3A_204 : i32 to index
        %parallel_loop3A_206 = arith.constant 0 : index
        %parallel_loop3A_207 = tpu.vector_load %arg10[%parallel_loop3A_205, %parallel_loop3A_206] {strides = array<i32>} : memref<400x64xbf16, #tpu.memory_space<vmem>>, vector<32xbf16>,
        %parallel_loop3A_208 = arith.index_cast %parallel_loop3A_204 : i32 to index
        %parallel_loop3A_209 = arith.constant 0 : index
        %parallel_loop3A_210 = tpu.vector_load %arg11[%parallel_loop3A_208, %parallel_loop3A_209] {strides = array<i32>} : memref<400x64xbf16, #tpu.memory_space<vmem>>, vector<32xbf16>,
        %parallel_loop3A_211 = arith.subf %parallel_loop3A_207, %parallel_loop3A_210 : vector<32xbf16>
        %parallel_loop3A_212 = tpu.unpack_subelements %parallel_loop3A_211, 0 {pack_format = #tpu.pack_format<interleaved>} : vector<32xbf16> -> vector<16xf32>
        %parallel_loop3A_213 = tpu.unpack_subelements %parallel_loop3A_211, 1 {pack_format = #tpu.pack_format<interleaved>} : vector<32xbf16> -> vector<16xf32>
        %parallel_loop3A_214 = arith.mulf %parallel_loop3A_212, %parallel_loop3A_212 : vector<16xf32>
        %parallel_loop3A_215 = arith.mulf %parallel_loop3A_213, %parallel_loop3A_213 : vector<16xf32>
        %parallel_loop3A_216 = arith.index_cast %parallel_loop3A_204 : i32 to index
        %parallel_loop3A_217 = arith.constant 32 : index
        %parallel_loop3A_218 = tpu.vector_load %arg10[%parallel_loop3A_216, %parallel_loop3A_217] {strides = array<i32>} : memref<400x64xbf16, #tpu.memory_space<vmem>>, vector<32xbf16>,
        %parallel_loop3A_219 = arith.index_cast %parallel_loop3A_204 : i32 to index
        %parallel_loop3A_220 = arith.constant 32 : index
        %parallel_loop3A_221 = tpu.vector_load %arg11[%parallel_loop3A_219, %parallel_loop3A_220] {strides = array<i32>} : memref<400x64xbf16, #tpu.memory_space<vmem>>, vector<32xbf16>,
        %parallel_loop3A_222 = arith.subf %parallel_loop3A_218, %parallel_loop3A_221 : vector<32xbf16>
        %parallel_loop3A_223 = tpu.unpack_subelements %parallel_loop3A_222, 0 {pack_format = #tpu.pack_format<interleaved>} : vector<32xbf16> -> vector<16xf32>
        %parallel_loop3A_224 = tpu.unpack_subelements %parallel_loop3A_222, 1 {pack_format = #tpu.pack_format<interleaved>} : vector<32xbf16> -> vector<16xf32>
        %parallel_loop3A_225 = arith.mulf %parallel_loop3A_223, %parallel_loop3A_223 : vector<16xf32>
        %parallel_loop3A_226 = arith.mulf %parallel_loop3A_224, %parallel_loop3A_224 : vector<16xf32>
        %parallel_loop3A_227 = arith.addf %parallel_loop3A_214, %parallel_loop3A_215 : vector<16xf32>
        %parallel_loop3A_228 = arith.addf %parallel_loop3A_225, %parallel_loop3A_226 : vector<16xf32>
        %parallel_loop3A_229 = arith.addf %parallel_loop3A_227, %parallel_loop3A_228 : vector<16xf32>
        %parallel_loop3A_230 = arith.constant true
        %parallel_loop3A_231 = vector.broadcast %parallel_loop3A_230 : i1 to vector<16xi1>
        %parallel_loop3A_232 = tpu.scan <sum>, %parallel_loop3A_229 masked %parallel_loop3A_231 : vector<16xf32>, vector<16xi1> -> vector<16xf32>
        %parallel_loop3A_233 = arith.index_cast %parallel_loop3A_204 : i32 to index
        %parallel_loop3A_234 = arith.constant 0 : index
        %parallel_loop3A_235 = tpu.vector_load %arg18[%parallel_loop3A_233, %parallel_loop3A_234] {strides = array<i32>} : memref<400x16xf32, #tpu.memory_space<vmem>>, vector<16xf32>,
        tpu.vector_store %arg18[%parallel_loop3A_233, %parallel_loop3A_234], %parallel_loop3A_232 {strides = array<i32>} : memref<400x16xf32, #tpu.memory_space<vmem>>, vector<16xf32>,
      } {sc.loop_unroll_factor = 2 : i64, sc.parallel_access}
      %get3A_161 = arith.constant 0 : index
      %get3A_162 = tpu.vector_load %arg20[%get3A_161] {strides = array<i32>} : memref<16xf32, #tpu.memory_space<vmem>>, vector<16xf32>,
      %parallel_loop3A_163 = arith.constant 0 : i32
      %parallel_loop3A_164 = arith.constant 25 : i32
      %parallel_loop3A_165 = arith.constant 1 : i32
      %parallel_loop3A_166 = scf.for %parallel_loop3A_204 = %parallel_loop3A_163 to %parallel_loop3A_164 step %parallel_loop3A_165 iter_args(%parallel_loop3A_205 = %get3A_162) -> (vector<16xf32>)  : i32 {
        %parallel_loop3A_206 = arith.constant 16 : i32
        %parallel_loop3A_207 = arith.muli %parallel_loop3A_204, %parallel_loop3A_206 : i32
        %parallel_loop3A_208 = vector.broadcast %parallel_loop3A_207 : i32 to vector<16xi32>
        %parallel_loop3A_209 = arith.addi %iota3A, %parallel_loop3A_208 : vector<16xi32>
        %parallel_loop3A_210 = arith.constant 15 : i32
        %parallel_loop3A_211 = vector.broadcast %parallel_loop3A_210 : i32 to vector<16xi32>
        %parallel_loop3A_212 = tpu.vector_load_idx %arg18[%parallel_loop3A_209, %parallel_loop3A_211] : memref<400x16xf32, #tpu.memory_space<vmem>>[vector<16xi32>, vector<16xi32>], vector<16xf32>,
        %parallel_loop3A_213 = tpu.vector_load_idx %arg14[%parallel_loop3A_209] : memref<400xi32, #tpu.memory_space<vmem>>[vector<16xi32>], vector<16xi32>,
        %parallel_loop3A_214 = tpu.vector_load_idx %arg15[%parallel_loop3A_209] : memref<400xi32, #tpu.memory_space<vmem>>[vector<16xi32>], vector<16xi32>,
        %parallel_loop3A_215 = arith.subf %get3A_48, %parallel_loop3A_212 : vector<16xf32>
        %parallel_loop3A_216 = arith.maximumf %broadcast_in_dim3A_49, %parallel_loop3A_215 : vector<16xf32>
        %parallel_loop3A_217 = arith.cmpi eq, %parallel_loop3A_213, %parallel_loop3A_214 : vector<16xi32>
        %parallel_loop3A_218 = arith.select %parallel_loop3A_217, %parallel_loop3A_212, %parallel_loop3A_216 : vector<16xi1>, vector<16xf32>
        %parallel_loop3A_219 = arith.addf %parallel_loop3A_205, %parallel_loop3A_218 : vector<16xf32>
        scf.yield %parallel_loop3A_219 : vector<16xf32>
      } {sc.loop_unroll_factor = 1 : i64, sc.parallel_access}
      %swap3A_167 = arith.constant 0 : index
      %swap3A_168 = tpu.vector_load %arg20[%swap3A_167] {strides = array<i32>} : memref<16xf32, #tpu.memory_space<vmem>>, vector<16xf32>,
      tpu.vector_store %arg20[%swap3A_167], %parallel_loop3A_166 {strides = array<i32>} : memref<16xf32, #tpu.memory_space<vmem>>, vector<16xf32>,
      %add3A_169 = arith.constant 2 : i32
      %add3A_170 = arith.addi %mul3A_123, %add3A_169 : i32
      %lt3A_171 = arith.cmpi slt, %add3A_170, %sub3A_47 : i32
      %convert_element_type3A_172 = arith.extui %lt3A_171 : i1 to i32
      %cond3A_173 = arith.constant 0 : i32
      %cond3A_174 = arith.cmpi ne, %convert_element_type3A_172, %cond3A_173 : i32
      scf.if %cond3A_174 {
        %add3A_204 = arith.constant 2 : i32
        %add3A_205 = arith.addi %mul3A_123, %add3A_204 : i32
        %mul3A_206 = arith.constant 400 : i32
        %mul3A_207 = arith.muli %add3A_205, %mul3A_206 : i32
        %dma_start3A_208 = tpu.memref_slice %arg8[%mul3A_207] : memref<31600xi32, #tpu.memory_space<vmem>> -> memref<400xi32, #tpu.memory_space<vmem>>
        %dma_start3A_209 = arith.constant 0 : i32
        %dma_start3A_210 = arith.constant 0 : i32
        %dma_start3A_211 = tpu.memref_slice %arg2[%dma_start3A_209, %dma_start3A_210] : memref<100000x64xbf16, #tpu.memory_space<hbm>> -> memref<100000x64xbf16, #tpu.memory_space<hbm>>
        tpu.enqueue_indirect_dma source(%dma_start3A_211 : memref<100000x64xbf16, #tpu.memory_space<hbm>>) target(%arg10 : memref<400x64xbf16, #tpu.memory_space<vmem>>) offsets(%dma_start3A_208 : memref<400xi32, #tpu.memory_space<vmem>>) semaphore(%arg21 : memref<!tpu.dma_semaphore, #tpu.memory_space<semaphore_mem>>)
        %dma_start3A_212 = tpu.memref_slice %arg9[%mul3A_207] : memref<31600xi32, #tpu.memory_space<vmem>> -> memref<400xi32, #tpu.memory_space<vmem>>
        %dma_start3A_213 = arith.constant 0 : i32
        %dma_start3A_214 = arith.constant 0 : i32
        %dma_start3A_215 = tpu.memref_slice %arg2[%dma_start3A_213, %dma_start3A_214] : memref<100000x64xbf16, #tpu.memory_space<hbm>> -> memref<100000x64xbf16, #tpu.memory_space<hbm>>
        tpu.enqueue_indirect_dma source(%dma_start3A_215 : memref<100000x64xbf16, #tpu.memory_space<hbm>>) target(%arg11 : memref<400x64xbf16, #tpu.memory_space<vmem>>) offsets(%dma_start3A_212 : memref<400xi32, #tpu.memory_space<vmem>>) semaphore(%arg21 : memref<!tpu.dma_semaphore, #tpu.memory_space<semaphore_mem>>)
        %dma_start3A_216 = tpu.memref_slice %arg8[%mul3A_207] : memref<31600xi32, #tpu.memory_space<vmem>> -> memref<400xi32, #tpu.memory_space<vmem>>
        %dma_start3A_217 = arith.constant 0 : i32
        %dma_start3A_218 = tpu.memref_slice %arg5[%dma_start3A_217] : memref<100000xi32, #tpu.memory_space<hbm>> -> memref<100000xi32, #tpu.memory_space<hbm>>
        tpu.enqueue_indirect_dma source(%dma_start3A_218 : memref<100000xi32, #tpu.memory_space<hbm>>) target(%arg14 : memref<400xi32, #tpu.memory_space<vmem>>) offsets(%dma_start3A_216 : memref<400xi32, #tpu.memory_space<vmem>>) semaphore(%arg21 : memref<!tpu.dma_semaphore, #tpu.memory_space<semaphore_mem>>)
        %dma_start3A_219 = tpu.memref_slice %arg9[%mul3A_207] : memref<31600xi32, #tpu.memory_space<vmem>> -> memref<400xi32, #tpu.memory_space<vmem>>
        %dma_start3A_220 = arith.constant 0 : i32
        %dma_start3A_221 = tpu.memref_slice %arg5[%dma_start3A_220] : memref<100000xi32, #tpu.memory_space<hbm>> -> memref<100000xi32, #tpu.memory_space<hbm>>
        tpu.enqueue_indirect_dma source(%dma_start3A_221 : memref<100000xi32, #tpu.memory_space<hbm>>) target(%arg15 : memref<400xi32, #tpu.memory_space<vmem>>) offsets(%dma_start3A_219 : memref<400xi32, #tpu.memory_space<vmem>>) semaphore(%arg21 : memref<!tpu.dma_semaphore, #tpu.memory_space<semaphore_mem>>)
      } else {
      }
      %dma_wait3A_175 = arith.constant 0 : i32
      %dma_wait3A_176 = tpu.memref_slice %arg8[%dma_wait3A_175] : memref<31600xi32, #tpu.memory_space<vmem>> -> memref<400xi32, #tpu.memory_space<vmem>>
      %dma_wait3A_177 = arith.constant 0 : i32
      %dma_wait3A_178 = arith.constant 0 : i32
      %dma_wait3A_179 = tpu.memref_slice %arg2[%dma_wait3A_177, %dma_wait3A_178] : memref<100000x64xbf16, #tpu.memory_space<hbm>> -> memref<100000x64xbf16, #tpu.memory_space<hbm>>
      tpu.wait_indirect_dma semaphore(%arg22 : memref<!tpu.dma_semaphore, #tpu.memory_space<semaphore_mem>>) src(%dma_wait3A_179 : memref<100000x64xbf16, #tpu.memory_space<hbm>>) dst(%arg12 : memref<400x64xbf16, #tpu.memory_space<vmem>>)
      %dma_wait3A_180 = arith.constant 0 : i32
      %dma_wait3A_181 = tpu.memref_slice %arg8[%dma_wait3A_180] : memref<31600xi32, #tpu.memory_space<vmem>> -> memref<400xi32, #tpu.memory_space<vmem>>
      %dma_wait3A_182 = arith.constant 0 : i32
      %dma_wait3A_183 = arith.constant 0 : i32
      %dma_wait3A_184 = tpu.memref_slice %arg2[%dma_wait3A_182, %dma_wait3A_183] : memref<100000x64xbf16, #tpu.memory_space<hbm>> -> memref<100000x64xbf16, #tpu.memory_space<hbm>>
      tpu.wait_indirect_dma semaphore(%arg22 : memref<!tpu.dma_semaphore, #tpu.memory_space<semaphore_mem>>) src(%dma_wait3A_184 : memref<100000x64xbf16, #tpu.memory_space<hbm>>) dst(%arg13 : memref<400x64xbf16, #tpu.memory_space<vmem>>)
      %dma_wait3A_185 = arith.constant 0 : i32
      %dma_wait3A_186 = tpu.memref_slice %arg8[%dma_wait3A_185] : memref<31600xi32, #tpu.memory_space<vmem>> -> memref<400xi32, #tpu.memory_space<vmem>>
      %dma_wait3A_187 = arith.constant 0 : i32
      %dma_wait3A_188 = tpu.memref_slice %arg5[%dma_wait3A_187] : memref<100000xi32, #tpu.memory_space<hbm>> -> memref<100000xi32, #tpu.memory_space<hbm>>
      tpu.wait_indirect_dma semaphore(%arg22 : memref<!tpu.dma_semaphore, #tpu.memory_space<semaphore_mem>>) src(%dma_wait3A_188 : memref<100000xi32, #tpu.memory_space<hbm>>) dst(%arg16 : memref<400xi32, #tpu.memory_space<vmem>>)
      %dma_wait3A_189 = arith.constant 0 : i32
      %dma_wait3A_190 = tpu.memref_slice %arg8[%dma_wait3A_189] : memref<31600xi32, #tpu.memory_space<vmem>> -> memref<400xi32, #tpu.memory_space<vmem>>
      %dma_wait3A_191 = arith.constant 0 : i32
      %dma_wait3A_192 = tpu.memref_slice %arg5[%dma_wait3A_191] : memref<100000xi32, #tpu.memory_space<hbm>> -> memref<100000xi32, #tpu.memory_space<hbm>>
      tpu.wait_indirect_dma semaphore(%arg22 : memref<!tpu.dma_semaphore, #tpu.memory_space<semaphore_mem>>) src(%dma_wait3A_192 : memref<100000xi32, #tpu.memory_space<hbm>>) dst(%arg17 : memref<400xi32, #tpu.memory_space<vmem>>)
      %parallel_loop3A_193 = arith.constant 0 : i32
      %parallel_loop3A_194 = arith.constant 400 : i32
      %parallel_loop3A_195 = arith.constant 1 : i32
      scf.for %parallel_loop3A_204 = %parallel_loop3A_193 to %parallel_loop3A_194 step %parallel_loop3A_195  : i32 {
        %parallel_loop3A_205 = arith.index_cast %parallel_loop3A_204 : i32 to index
        %parallel_loop3A_206 = arith.constant 0 : index
        %parallel_loop3A_207 = tpu.vector_load %arg12[%parallel_loop3A_205, %parallel_loop3A_206] {strides = array<i32>} : memref<400x64xbf16, #tpu.memory_space<vmem>>, vector<32xbf16>,
        %parallel_loop3A_208 = arith.index_cast %parallel_loop3A_204 : i32 to index
        %parallel_loop3A_209 = arith.constant 0 : index
        %parallel_loop3A_210 = tpu.vector_load %arg13[%parallel_loop3A_208, %parallel_loop3A_209] {strides = array<i32>} : memref<400x64xbf16, #tpu.memory_space<vmem>>, vector<32xbf16>,
        %parallel_loop3A_211 = arith.subf %parallel_loop3A_207, %parallel_loop3A_210 : vector<32xbf16>
        %parallel_loop3A_212 = tpu.unpack_subelements %parallel_loop3A_211, 0 {pack_format = #tpu.pack_format<interleaved>} : vector<32xbf16> -> vector<16xf32>
        %parallel_loop3A_213 = tpu.unpack_subelements %parallel_loop3A_211, 1 {pack_format = #tpu.pack_format<interleaved>} : vector<32xbf16> -> vector<16xf32>
        %parallel_loop3A_214 = arith.mulf %parallel_loop3A_212, %parallel_loop3A_212 : vector<16xf32>
        %parallel_loop3A_215 = arith.mulf %parallel_loop3A_213, %parallel_loop3A_213 : vector<16xf32>
        %parallel_loop3A_216 = arith.index_cast %parallel_loop3A_204 : i32 to index
        %parallel_loop3A_217 = arith.constant 32 : index
        %parallel_loop3A_218 = tpu.vector_load %arg12[%parallel_loop3A_216, %parallel_loop3A_217] {strides = array<i32>} : memref<400x64xbf16, #tpu.memory_space<vmem>>, vector<32xbf16>,
        %parallel_loop3A_219 = arith.index_cast %parallel_loop3A_204 : i32 to index
        %parallel_loop3A_220 = arith.constant 32 : index
        %parallel_loop3A_221 = tpu.vector_load %arg13[%parallel_loop3A_219, %parallel_loop3A_220] {strides = array<i32>} : memref<400x64xbf16, #tpu.memory_space<vmem>>, vector<32xbf16>,
        %parallel_loop3A_222 = arith.subf %parallel_loop3A_218, %parallel_loop3A_221 : vector<32xbf16>
        %parallel_loop3A_223 = tpu.unpack_subelements %parallel_loop3A_222, 0 {pack_format = #tpu.pack_format<interleaved>} : vector<32xbf16> -> vector<16xf32>
        %parallel_loop3A_224 = tpu.unpack_subelements %parallel_loop3A_222, 1 {pack_format = #tpu.pack_format<interleaved>} : vector<32xbf16> -> vector<16xf32>
        %parallel_loop3A_225 = arith.mulf %parallel_loop3A_223, %parallel_loop3A_223 : vector<16xf32>
        %parallel_loop3A_226 = arith.mulf %parallel_loop3A_224, %parallel_loop3A_224 : vector<16xf32>
        %parallel_loop3A_227 = arith.addf %parallel_loop3A_214, %parallel_loop3A_215 : vector<16xf32>
        %parallel_loop3A_228 = arith.addf %parallel_loop3A_225, %parallel_loop3A_226 : vector<16xf32>
        %parallel_loop3A_229 = arith.addf %parallel_loop3A_227, %parallel_loop3A_228 : vector<16xf32>
        %parallel_loop3A_230 = arith.constant true
        %parallel_loop3A_231 = vector.broadcast %parallel_loop3A_230 : i1 to vector<16xi1>
        %parallel_loop3A_232 = tpu.scan <sum>, %parallel_loop3A_229 masked %parallel_loop3A_231 : vector<16xf32>, vector<16xi1> -> vector<16xf32>
        %parallel_loop3A_233 = arith.index_cast %parallel_loop3A_204 : i32 to index
        %parallel_loop3A_234 = arith.constant 0 : index
        %parallel_loop3A_235 = tpu.vector_load %arg18[%parallel_loop3A_233, %parallel_loop3A_234] {strides = array<i32>} : memref<400x16xf32, #tpu.memory_space<vmem>>, vector<16xf32>,
        tpu.vector_store %arg18[%parallel_loop3A_233, %parallel_loop3A_234], %parallel_loop3A_232 {strides = array<i32>} : memref<400x16xf32, #tpu.memory_space<vmem>>, vector<16xf32>,
      } {sc.loop_unroll_factor = 2 : i64, sc.parallel_access}
      %get3A_196 = arith.constant 0 : index
      %get3A_197 = tpu.vector_load %arg20[%get3A_196] {strides = array<i32>} : memref<16xf32, #tpu.memory_space<vmem>>, vector<16xf32>,
      %parallel_loop3A_198 = arith.constant 0 : i32
      %parallel_loop3A_199 = arith.constant 25 : i32
      %parallel_loop3A_200 = arith.constant 1 : i32
      %parallel_loop3A_201 = scf.for %parallel_loop3A_204 = %parallel_loop3A_198 to %parallel_loop3A_199 step %parallel_loop3A_200 iter_args(%parallel_loop3A_205 = %get3A_197) -> (vector<16xf32>)  : i32 {
        %parallel_loop3A_206 = arith.constant 16 : i32
        %parallel_loop3A_207 = arith.muli %parallel_loop3A_204, %parallel_loop3A_206 : i32
        %parallel_loop3A_208 = vector.broadcast %parallel_loop3A_207 : i32 to vector<16xi32>
        %parallel_loop3A_209 = arith.addi %iota3A, %parallel_loop3A_208 : vector<16xi32>
        %parallel_loop3A_210 = arith.constant 15 : i32
        %parallel_loop3A_211 = vector.broadcast %parallel_loop3A_210 : i32 to vector<16xi32>
        %parallel_loop3A_212 = tpu.vector_load_idx %arg18[%parallel_loop3A_209, %parallel_loop3A_211] : memref<400x16xf32, #tpu.memory_space<vmem>>[vector<16xi32>, vector<16xi32>], vector<16xf32>,
        %parallel_loop3A_213 = tpu.vector_load_idx %arg16[%parallel_loop3A_209] : memref<400xi32, #tpu.memory_space<vmem>>[vector<16xi32>], vector<16xi32>,
        %parallel_loop3A_214 = tpu.vector_load_idx %arg17[%parallel_loop3A_209] : memref<400xi32, #tpu.memory_space<vmem>>[vector<16xi32>], vector<16xi32>,
        %parallel_loop3A_215 = arith.subf %get3A_48, %parallel_loop3A_212 : vector<16xf32>
        %parallel_loop3A_216 = arith.maximumf %broadcast_in_dim3A_49, %parallel_loop3A_215 : vector<16xf32>
        %parallel_loop3A_217 = arith.cmpi eq, %parallel_loop3A_213, %parallel_loop3A_214 : vector<16xi32>
        %parallel_loop3A_218 = arith.select %parallel_loop3A_217, %parallel_loop3A_212, %parallel_loop3A_216 : vector<16xi1>, vector<16xf32>
        %parallel_loop3A_219 = arith.addf %parallel_loop3A_205, %parallel_loop3A_218 : vector<16xf32>
        scf.yield %parallel_loop3A_219 : vector<16xf32>
      } {sc.loop_unroll_factor = 1 : i64, sc.parallel_access}
      %swap3A_202 = arith.constant 0 : index
      %swap3A_203 = tpu.vector_load %arg20[%swap3A_202] {strides = array<i32>} : memref<16xf32, #tpu.memory_space<vmem>>, vector<16xf32>,
      tpu.vector_store %arg20[%swap3A_202], %parallel_loop3A_201 {strides = array<i32>} : memref<16xf32, #tpu.memory_space<vmem>>, vector<16xf32>,
    }
    %while3A_103 = arith.constant 1 : i32
    scf.for %while3A_121 = %while3A_101 to %while3A_97 step %while3A_103  : i32 {
      %mul3A_122 = arith.constant 2 : i32
      %mul3A_123 = arith.muli %mul3A_122, %while3A_121 : i32
      %add3A_124 = arith.constant 1 : i32
      %add3A_125 = arith.addi %mul3A_123, %add3A_124 : i32
      %mul3A_126 = arith.constant 400 : i32
      %mul3A_127 = arith.muli %add3A_125, %mul3A_126 : i32
      %dma_start3A_128 = tpu.memref_slice %arg8[%mul3A_127] : memref<31600xi32, #tpu.memory_space<vmem>> -> memref<400xi32, #tpu.memory_space<vmem>>
      %dma_start3A_129 = arith.constant 0 : i32
      %dma_start3A_130 = arith.constant 0 : i32
      %dma_start3A_131 = tpu.memref_slice %arg2[%dma_start3A_129, %dma_start3A_130] : memref<100000x64xbf16, #tpu.memory_space<hbm>> -> memref<100000x64xbf16, #tpu.memory_space<hbm>>
      tpu.enqueue_indirect_dma source(%dma_start3A_131 : memref<100000x64xbf16, #tpu.memory_space<hbm>>) target(%arg12 : memref<400x64xbf16, #tpu.memory_space<vmem>>) offsets(%dma_start3A_128 : memref<400xi32, #tpu.memory_space<vmem>>) semaphore(%arg22 : memref<!tpu.dma_semaphore, #tpu.memory_space<semaphore_mem>>)
      %dma_start3A_132 = tpu.memref_slice %arg9[%mul3A_127] : memref<31600xi32, #tpu.memory_space<vmem>> -> memref<400xi32, #tpu.memory_space<vmem>>
      %dma_start3A_133 = arith.constant 0 : i32
      %dma_start3A_134 = arith.constant 0 : i32
      %dma_start3A_135 = tpu.memref_slice %arg2[%dma_start3A_133, %dma_start3A_134] : memref<100000x64xbf16, #tpu.memory_space<hbm>> -> memref<100000x64xbf16, #tpu.memory_space<hbm>>
      tpu.enqueue_indirect_dma source(%dma_start3A_135 : memref<100000x64xbf16, #tpu.memory_space<hbm>>) target(%arg13 : memref<400x64xbf16, #tpu.memory_space<vmem>>) offsets(%dma_start3A_132 : memref<400xi32, #tpu.memory_space<vmem>>) semaphore(%arg22 : memref<!tpu.dma_semaphore, #tpu.memory_space<semaphore_mem>>)
      %dma_start3A_136 = tpu.memref_slice %arg8[%mul3A_127] : memref<31600xi32, #tpu.memory_space<vmem>> -> memref<400xi32, #tpu.memory_space<vmem>>
      %dma_start3A_137 = arith.constant 0 : i32
      %dma_start3A_138 = tpu.memref_slice %arg5[%dma_start3A_137] : memref<100000xi32, #tpu.memory_space<hbm>> -> memref<100000xi32, #tpu.memory_space<hbm>>
      tpu.enqueue_indirect_dma source(%dma_start3A_138 : memref<100000xi32, #tpu.memory_space<hbm>>) target(%arg16 : memref<400xi32, #tpu.memory_space<vmem>>) offsets(%dma_start3A_136 : memref<400xi32, #tpu.memory_space<vmem>>) semaphore(%arg22 : memref<!tpu.dma_semaphore, #tpu.memory_space<semaphore_mem>>)
      %dma_start3A_139 = tpu.memref_slice %arg9[%mul3A_127] : memref<31600xi32, #tpu.memory_space<vmem>> -> memref<400xi32, #tpu.memory_space<vmem>>
      %dma_start3A_140 = arith.constant 0 : i32
      %dma_start3A_141 = tpu.memref_slice %arg5[%dma_start3A_140] : memref<100000xi32, #tpu.memory_space<hbm>> -> memref<100000xi32, #tpu.memory_space<hbm>>
      tpu.enqueue_indirect_dma source(%dma_start3A_141 : memref<100000xi32, #tpu.memory_space<hbm>>) target(%arg17 : memref<400xi32, #tpu.memory_space<vmem>>) offsets(%dma_start3A_139 : memref<400xi32, #tpu.memory_space<vmem>>) semaphore(%arg22 : memref<!tpu.dma_semaphore, #tpu.memory_space<semaphore_mem>>)
      %dma_wait3A = arith.constant 0 : i32
      %dma_wait3A_142 = tpu.memref_slice %arg8[%dma_wait3A] : memref<31600xi32, #tpu.memory_space<vmem>> -> memref<400xi32, #tpu.memory_space<vmem>>
      %dma_wait3A_143 = arith.constant 0 : i32
      %dma_wait3A_144 = arith.constant 0 : i32
      %dma_wait3A_145 = tpu.memref_slice %arg2[%dma_wait3A_143, %dma_wait3A_144] : memref<100000x64xbf16, #tpu.memory_space<hbm>> -> memref<100000x64xbf16, #tpu.memory_space<hbm>>
      tpu.wait_indirect_dma semaphore(%arg21 : memref<!tpu.dma_semaphore, #tpu.memory_space<semaphore_mem>>) src(%dma_wait3A_145 : memref<100000x64xbf16, #tpu.memory_space<hbm>>) dst(%arg10 : memref<400x64xbf16, #tpu.memory_space<vmem>>)
      %dma_wait3A_146 = arith.constant 0 : i32
      %dma_wait3A_147 = tpu.memref_slice %arg8[%dma_wait3A_146] : memref<31600xi32, #tpu.memory_space<vmem>> -> memref<400xi32, #tpu.memory_space<vmem>>
      %dma_wait3A_148 = arith.constant 0 : i32
      %dma_wait3A_149 = arith.constant 0 : i32
      %dma_wait3A_150 = tpu.memref_slice %arg2[%dma_wait3A_148, %dma_wait3A_149] : memref<100000x64xbf16, #tpu.memory_space<hbm>> -> memref<100000x64xbf16, #tpu.memory_space<hbm>>
      tpu.wait_indirect_dma semaphore(%arg21 : memref<!tpu.dma_semaphore, #tpu.memory_space<semaphore_mem>>) src(%dma_wait3A_150 : memref<100000x64xbf16, #tpu.memory_space<hbm>>) dst(%arg11 : memref<400x64xbf16, #tpu.memory_space<vmem>>)
      %dma_wait3A_151 = arith.constant 0 : i32
      %dma_wait3A_152 = tpu.memref_slice %arg8[%dma_wait3A_151] : memref<31600xi32, #tpu.memory_space<vmem>> -> memref<400xi32, #tpu.memory_space<vmem>>
      %dma_wait3A_153 = arith.constant 0 : i32
      %dma_wait3A_154 = tpu.memref_slice %arg5[%dma_wait3A_153] : memref<100000xi32, #tpu.memory_space<hbm>> -> memref<100000xi32, #tpu.memory_space<hbm>>
      tpu.wait_indirect_dma semaphore(%arg21 : memref<!tpu.dma_semaphore, #tpu.memory_space<semaphore_mem>>) src(%dma_wait3A_154 : memref<100000xi32, #tpu.memory_space<hbm>>) dst(%arg14 : memref<400xi32, #tpu.memory_space<vmem>>)
      %dma_wait3A_155 = arith.constant 0 : i32
      %dma_wait3A_156 = tpu.memref_slice %arg8[%dma_wait3A_155] : memref<31600xi32, #tpu.memory_space<vmem>> -> memref<400xi32, #tpu.memory_space<vmem>>
      %dma_wait3A_157 = arith.constant 0 : i32
      %dma_wait3A_158 = tpu.memref_slice %arg5[%dma_wait3A_157] : memref<100000xi32, #tpu.memory_space<hbm>> -> memref<100000xi32, #tpu.memory_space<hbm>>
      tpu.wait_indirect_dma semaphore(%arg21 : memref<!tpu.dma_semaphore, #tpu.memory_space<semaphore_mem>>) src(%dma_wait3A_158 : memref<100000xi32, #tpu.memory_space<hbm>>) dst(%arg15 : memref<400xi32, #tpu.memory_space<vmem>>)
      %parallel_loop3A = arith.constant 0 : i32
      %parallel_loop3A_159 = arith.constant 400 : i32
      %parallel_loop3A_160 = arith.constant 1 : i32
      scf.for %parallel_loop3A_204 = %parallel_loop3A to %parallel_loop3A_159 step %parallel_loop3A_160  : i32 {
        %parallel_loop3A_205 = arith.index_cast %parallel_loop3A_204 : i32 to index
        %parallel_loop3A_206 = arith.constant 0 : index
        %parallel_loop3A_207 = tpu.vector_load %arg10[%parallel_loop3A_205, %parallel_loop3A_206] {strides = array<i32>} : memref<400x64xbf16, #tpu.memory_space<vmem>>, vector<32xbf16>,
        %parallel_loop3A_208 = arith.index_cast %parallel_loop3A_204 : i32 to index
        %parallel_loop3A_209 = arith.constant 0 : index
        %parallel_loop3A_210 = tpu.vector_load %arg11[%parallel_loop3A_208, %parallel_loop3A_209] {strides = array<i32>} : memref<400x64xbf16, #tpu.memory_space<vmem>>, vector<32xbf16>,
        %parallel_loop3A_211 = arith.subf %parallel_loop3A_207, %parallel_loop3A_210 : vector<32xbf16>
        %parallel_loop3A_212 = tpu.unpack_subelements %parallel_loop3A_211, 0 {pack_format = #tpu.pack_format<interleaved>} : vector<32xbf16> -> vector<16xf32>
        %parallel_loop3A_213 = tpu.unpack_subelements %parallel_loop3A_211, 1 {pack_format = #tpu.pack_format<interleaved>} : vector<32xbf16> -> vector<16xf32>
        %parallel_loop3A_214 = arith.mulf %parallel_loop3A_212, %parallel_loop3A_212 : vector<16xf32>
        %parallel_loop3A_215 = arith.mulf %parallel_loop3A_213, %parallel_loop3A_213 : vector<16xf32>
        %parallel_loop3A_216 = arith.index_cast %parallel_loop3A_204 : i32 to index
        %parallel_loop3A_217 = arith.constant 32 : index
        %parallel_loop3A_218 = tpu.vector_load %arg10[%parallel_loop3A_216, %parallel_loop3A_217] {strides = array<i32>} : memref<400x64xbf16, #tpu.memory_space<vmem>>, vector<32xbf16>,
        %parallel_loop3A_219 = arith.index_cast %parallel_loop3A_204 : i32 to index
        %parallel_loop3A_220 = arith.constant 32 : index
        %parallel_loop3A_221 = tpu.vector_load %arg11[%parallel_loop3A_219, %parallel_loop3A_220] {strides = array<i32>} : memref<400x64xbf16, #tpu.memory_space<vmem>>, vector<32xbf16>,
        %parallel_loop3A_222 = arith.subf %parallel_loop3A_218, %parallel_loop3A_221 : vector<32xbf16>
        %parallel_loop3A_223 = tpu.unpack_subelements %parallel_loop3A_222, 0 {pack_format = #tpu.pack_format<interleaved>} : vector<32xbf16> -> vector<16xf32>
        %parallel_loop3A_224 = tpu.unpack_subelements %parallel_loop3A_222, 1 {pack_format = #tpu.pack_format<interleaved>} : vector<32xbf16> -> vector<16xf32>
        %parallel_loop3A_225 = arith.mulf %parallel_loop3A_223, %parallel_loop3A_223 : vector<16xf32>
        %parallel_loop3A_226 = arith.mulf %parallel_loop3A_224, %parallel_loop3A_224 : vector<16xf32>
        %parallel_loop3A_227 = arith.addf %parallel_loop3A_214, %parallel_loop3A_215 : vector<16xf32>
        %parallel_loop3A_228 = arith.addf %parallel_loop3A_225, %parallel_loop3A_226 : vector<16xf32>
        %parallel_loop3A_229 = arith.addf %parallel_loop3A_227, %parallel_loop3A_228 : vector<16xf32>
        %parallel_loop3A_230 = arith.constant true
        %parallel_loop3A_231 = vector.broadcast %parallel_loop3A_230 : i1 to vector<16xi1>
        %parallel_loop3A_232 = tpu.scan <sum>, %parallel_loop3A_229 masked %parallel_loop3A_231 : vector<16xf32>, vector<16xi1> -> vector<16xf32>
        %parallel_loop3A_233 = arith.index_cast %parallel_loop3A_204 : i32 to index
        %parallel_loop3A_234 = arith.constant 0 : index
        %parallel_loop3A_235 = tpu.vector_load %arg18[%parallel_loop3A_233, %parallel_loop3A_234] {strides = array<i32>} : memref<400x16xf32, #tpu.memory_space<vmem>>, vector<16xf32>,
        tpu.vector_store %arg18[%parallel_loop3A_233, %parallel_loop3A_234], %parallel_loop3A_232 {strides = array<i32>} : memref<400x16xf32, #tpu.memory_space<vmem>>, vector<16xf32>,
      } {sc.loop_unroll_factor = 2 : i64, sc.parallel_access}
      %get3A_161 = arith.constant 0 : index
      %get3A_162 = tpu.vector_load %arg20[%get3A_161] {strides = array<i32>} : memref<16xf32, #tpu.memory_space<vmem>>, vector<16xf32>,
      %parallel_loop3A_163 = arith.constant 0 : i32
      %parallel_loop3A_164 = arith.constant 25 : i32
      %parallel_loop3A_165 = arith.constant 1 : i32
      %parallel_loop3A_166 = scf.for %parallel_loop3A_204 = %parallel_loop3A_163 to %parallel_loop3A_164 step %parallel_loop3A_165 iter_args(%parallel_loop3A_205 = %get3A_162) -> (vector<16xf32>)  : i32 {
        %parallel_loop3A_206 = arith.constant 16 : i32
        %parallel_loop3A_207 = arith.muli %parallel_loop3A_204, %parallel_loop3A_206 : i32
        %parallel_loop3A_208 = vector.broadcast %parallel_loop3A_207 : i32 to vector<16xi32>
        %parallel_loop3A_209 = arith.addi %iota3A, %parallel_loop3A_208 : vector<16xi32>
        %parallel_loop3A_210 = arith.constant 15 : i32
        %parallel_loop3A_211 = vector.broadcast %parallel_loop3A_210 : i32 to vector<16xi32>
        %parallel_loop3A_212 = tpu.vector_load_idx %arg18[%parallel_loop3A_209, %parallel_loop3A_211] : memref<400x16xf32, #tpu.memory_space<vmem>>[vector<16xi32>, vector<16xi32>], vector<16xf32>,
        %parallel_loop3A_213 = tpu.vector_load_idx %arg14[%parallel_loop3A_209] : memref<400xi32, #tpu.memory_space<vmem>>[vector<16xi32>], vector<16xi32>,
        %parallel_loop3A_214 = tpu.vector_load_idx %arg15[%parallel_loop3A_209] : memref<400xi32, #tpu.memory_space<vmem>>[vector<16xi32>], vector<16xi32>,
        %parallel_loop3A_215 = arith.subf %get3A_48, %parallel_loop3A_212 : vector<16xf32>
        %parallel_loop3A_216 = arith.maximumf %broadcast_in_dim3A_49, %parallel_loop3A_215 : vector<16xf32>
        %parallel_loop3A_217 = arith.cmpi eq, %parallel_loop3A_213, %parallel_loop3A_214 : vector<16xi32>
        %parallel_loop3A_218 = arith.select %parallel_loop3A_217, %parallel_loop3A_212, %parallel_loop3A_216 : vector<16xi1>, vector<16xf32>
        %parallel_loop3A_219 = arith.addf %parallel_loop3A_205, %parallel_loop3A_218 : vector<16xf32>
        scf.yield %parallel_loop3A_219 : vector<16xf32>
      } {sc.loop_unroll_factor = 1 : i64, sc.parallel_access}
      %swap3A_167 = arith.constant 0 : index
      %swap3A_168 = tpu.vector_load %arg20[%swap3A_167] {strides = array<i32>} : memref<16xf32, #tpu.memory_space<vmem>>, vector<16xf32>,
      tpu.vector_store %arg20[%swap3A_167], %parallel_loop3A_166 {strides = array<i32>} : memref<16xf32, #tpu.memory_space<vmem>>, vector<16xf32>,
      %add3A_169 = arith.constant 2 : i32
      %add3A_170 = arith.addi %mul3A_123, %add3A_169 : i32
      %lt3A_171 = arith.cmpi slt, %add3A_170, %sub3A_47 : i32
      %convert_element_type3A_172 = arith.extui %lt3A_171 : i1 to i32
      %cond3A_173 = arith.constant 0 : i32
      %cond3A_174 = arith.cmpi ne, %convert_element_type3A_172, %cond3A_173 : i32
      scf.if %cond3A_174 {
        %add3A_204 = arith.constant 2 : i32
        %add3A_205 = arith.addi %mul3A_123, %add3A_204 : i32
        %mul3A_206 = arith.constant 400 : i32
        %mul3A_207 = arith.muli %add3A_205, %mul3A_206 : i32
        %dma_start3A_208 = tpu.memref_slice %arg8[%mul3A_207] : memref<31600xi32, #tpu.memory_space<vmem>> -> memref<400xi32, #tpu.memory_space<vmem>>
        %dma_start3A_209 = arith.constant 0 : i32
        %dma_start3A_210 = arith.constant 0 : i32
        %dma_start3A_211 = tpu.memref_slice %arg2[%dma_start3A_209, %dma_start3A_210] : memref<100000x64xbf16, #tpu.memory_space<hbm>> -> memref<100000x64xbf16, #tpu.memory_space<hbm>>
        tpu.enqueue_indirect_dma source(%dma_start3A_211 : memref<100000x64xbf16, #tpu.memory_space<hbm>>) target(%arg10 : memref<400x64xbf16, #tpu.memory_space<vmem>>) offsets(%dma_start3A_208 : memref<400xi32, #tpu.memory_space<vmem>>) semaphore(%arg21 : memref<!tpu.dma_semaphore, #tpu.memory_space<semaphore_mem>>)
        %dma_start3A_212 = tpu.memref_slice %arg9[%mul3A_207] : memref<31600xi32, #tpu.memory_space<vmem>> -> memref<400xi32, #tpu.memory_space<vmem>>
        %dma_start3A_213 = arith.constant 0 : i32
        %dma_start3A_214 = arith.constant 0 : i32
        %dma_start3A_215 = tpu.memref_slice %arg2[%dma_start3A_213, %dma_start3A_214] : memref<100000x64xbf16, #tpu.memory_space<hbm>> -> memref<100000x64xbf16, #tpu.memory_space<hbm>>
        tpu.enqueue_indirect_dma source(%dma_start3A_215 : memref<100000x64xbf16, #tpu.memory_space<hbm>>) target(%arg11 : memref<400x64xbf16, #tpu.memory_space<vmem>>) offsets(%dma_start3A_212 : memref<400xi32, #tpu.memory_space<vmem>>) semaphore(%arg21 : memref<!tpu.dma_semaphore, #tpu.memory_space<semaphore_mem>>)
        %dma_start3A_216 = tpu.memref_slice %arg8[%mul3A_207] : memref<31600xi32, #tpu.memory_space<vmem>> -> memref<400xi32, #tpu.memory_space<vmem>>
        %dma_start3A_217 = arith.constant 0 : i32
        %dma_start3A_218 = tpu.memref_slice %arg5[%dma_start3A_217] : memref<100000xi32, #tpu.memory_space<hbm>> -> memref<100000xi32, #tpu.memory_space<hbm>>
        tpu.enqueue_indirect_dma source(%dma_start3A_218 : memref<100000xi32, #tpu.memory_space<hbm>>) target(%arg14 : memref<400xi32, #tpu.memory_space<vmem>>) offsets(%dma_start3A_216 : memref<400xi32, #tpu.memory_space<vmem>>) semaphore(%arg21 : memref<!tpu.dma_semaphore, #tpu.memory_space<semaphore_mem>>)
        %dma_start3A_219 = tpu.memref_slice %arg9[%mul3A_207] : memref<31600xi32, #tpu.memory_space<vmem>> -> memref<400xi32, #tpu.memory_space<vmem>>
        %dma_start3A_220 = arith.constant 0 : i32
        %dma_start3A_221 = tpu.memref_slice %arg5[%dma_start3A_220] : memref<100000xi32, #tpu.memory_space<hbm>> -> memref<100000xi32, #tpu.memory_space<hbm>>
        tpu.enqueue_indirect_dma source(%dma_start3A_221 : memref<100000xi32, #tpu.memory_space<hbm>>) target(%arg15 : memref<400xi32, #tpu.memory_space<vmem>>) offsets(%dma_start3A_219 : memref<400xi32, #tpu.memory_space<vmem>>) semaphore(%arg21 : memref<!tpu.dma_semaphore, #tpu.memory_space<semaphore_mem>>)
      } else {
      }
      %dma_wait3A_175 = arith.constant 0 : i32
      %dma_wait3A_176 = tpu.memref_slice %arg8[%dma_wait3A_175] : memref<31600xi32, #tpu.memory_space<vmem>> -> memref<400xi32, #tpu.memory_space<vmem>>
      %dma_wait3A_177 = arith.constant 0 : i32
      %dma_wait3A_178 = arith.constant 0 : i32
      %dma_wait3A_179 = tpu.memref_slice %arg2[%dma_wait3A_177, %dma_wait3A_178] : memref<100000x64xbf16, #tpu.memory_space<hbm>> -> memref<100000x64xbf16, #tpu.memory_space<hbm>>
      tpu.wait_indirect_dma semaphore(%arg22 : memref<!tpu.dma_semaphore, #tpu.memory_space<semaphore_mem>>) src(%dma_wait3A_179 : memref<100000x64xbf16, #tpu.memory_space<hbm>>) dst(%arg12 : memref<400x64xbf16, #tpu.memory_space<vmem>>)
      %dma_wait3A_180 = arith.constant 0 : i32
      %dma_wait3A_181 = tpu.memref_slice %arg8[%dma_wait3A_180] : memref<31600xi32, #tpu.memory_space<vmem>> -> memref<400xi32, #tpu.memory_space<vmem>>
      %dma_wait3A_182 = arith.constant 0 : i32
      %dma_wait3A_183 = arith.constant 0 : i32
      %dma_wait3A_184 = tpu.memref_slice %arg2[%dma_wait3A_182, %dma_wait3A_183] : memref<100000x64xbf16, #tpu.memory_space<hbm>> -> memref<100000x64xbf16, #tpu.memory_space<hbm>>
      tpu.wait_indirect_dma semaphore(%arg22 : memref<!tpu.dma_semaphore, #tpu.memory_space<semaphore_mem>>) src(%dma_wait3A_184 : memref<100000x64xbf16, #tpu.memory_space<hbm>>) dst(%arg13 : memref<400x64xbf16, #tpu.memory_space<vmem>>)
      %dma_wait3A_185 = arith.constant 0 : i32
      %dma_wait3A_186 = tpu.memref_slice %arg8[%dma_wait3A_185] : memref<31600xi32, #tpu.memory_space<vmem>> -> memref<400xi32, #tpu.memory_space<vmem>>
      %dma_wait3A_187 = arith.constant 0 : i32
      %dma_wait3A_188 = tpu.memref_slice %arg5[%dma_wait3A_187] : memref<100000xi32, #tpu.memory_space<hbm>> -> memref<100000xi32, #tpu.memory_space<hbm>>
      tpu.wait_indirect_dma semaphore(%arg22 : memref<!tpu.dma_semaphore, #tpu.memory_space<semaphore_mem>>) src(%dma_wait3A_188 : memref<100000xi32, #tpu.memory_space<hbm>>) dst(%arg16 : memref<400xi32, #tpu.memory_space<vmem>>)
      %dma_wait3A_189 = arith.constant 0 : i32
      %dma_wait3A_190 = tpu.memref_slice %arg8[%dma_wait3A_189] : memref<31600xi32, #tpu.memory_space<vmem>> -> memref<400xi32, #tpu.memory_space<vmem>>
      %dma_wait3A_191 = arith.constant 0 : i32
      %dma_wait3A_192 = tpu.memref_slice %arg5[%dma_wait3A_191] : memref<100000xi32, #tpu.memory_space<hbm>> -> memref<100000xi32, #tpu.memory_space<hbm>>
      tpu.wait_indirect_dma semaphore(%arg22 : memref<!tpu.dma_semaphore, #tpu.memory_space<semaphore_mem>>) src(%dma_wait3A_192 : memref<100000xi32, #tpu.memory_space<hbm>>) dst(%arg17 : memref<400xi32, #tpu.memory_space<vmem>>)
      %parallel_loop3A_193 = arith.constant 0 : i32
      %parallel_loop3A_194 = arith.constant 400 : i32
      %parallel_loop3A_195 = arith.constant 1 : i32
      scf.for %parallel_loop3A_204 = %parallel_loop3A_193 to %parallel_loop3A_194 step %parallel_loop3A_195  : i32 {
        %parallel_loop3A_205 = arith.index_cast %parallel_loop3A_204 : i32 to index
        %parallel_loop3A_206 = arith.constant 0 : index
        %parallel_loop3A_207 = tpu.vector_load %arg12[%parallel_loop3A_205, %parallel_loop3A_206] {strides = array<i32>} : memref<400x64xbf16, #tpu.memory_space<vmem>>, vector<32xbf16>,
        %parallel_loop3A_208 = arith.index_cast %parallel_loop3A_204 : i32 to index
        %parallel_loop3A_209 = arith.constant 0 : index
        %parallel_loop3A_210 = tpu.vector_load %arg13[%parallel_loop3A_208, %parallel_loop3A_209] {strides = array<i32>} : memref<400x64xbf16, #tpu.memory_space<vmem>>, vector<32xbf16>,
        %parallel_loop3A_211 = arith.subf %parallel_loop3A_207, %parallel_loop3A_210 : vector<32xbf16>
        %parallel_loop3A_212 = tpu.unpack_subelements %parallel_loop3A_211, 0 {pack_format = #tpu.pack_format<interleaved>} : vector<32xbf16> -> vector<16xf32>
        %parallel_loop3A_213 = tpu.unpack_subelements %parallel_loop3A_211, 1 {pack_format = #tpu.pack_format<interleaved>} : vector<32xbf16> -> vector<16xf32>
        %parallel_loop3A_214 = arith.mulf %parallel_loop3A_212, %parallel_loop3A_212 : vector<16xf32>
        %parallel_loop3A_215 = arith.mulf %parallel_loop3A_213, %parallel_loop3A_213 : vector<16xf32>
        %parallel_loop3A_216 = arith.index_cast %parallel_loop3A_204 : i32 to index
        %parallel_loop3A_217 = arith.constant 32 : index
        %parallel_loop3A_218 = tpu.vector_load %arg12[%parallel_loop3A_216, %parallel_loop3A_217] {strides = array<i32>} : memref<400x64xbf16, #tpu.memory_space<vmem>>, vector<32xbf16>,
        %parallel_loop3A_219 = arith.index_cast %parallel_loop3A_204 : i32 to index
        %parallel_loop3A_220 = arith.constant 32 : index
        %parallel_loop3A_221 = tpu.vector_load %arg13[%parallel_loop3A_219, %parallel_loop3A_220] {strides = array<i32>} : memref<400x64xbf16, #tpu.memory_space<vmem>>, vector<32xbf16>,
        %parallel_loop3A_222 = arith.subf %parallel_loop3A_218, %parallel_loop3A_221 : vector<32xbf16>
        %parallel_loop3A_223 = tpu.unpack_subelements %parallel_loop3A_222, 0 {pack_format = #tpu.pack_format<interleaved>} : vector<32xbf16> -> vector<16xf32>
        %parallel_loop3A_224 = tpu.unpack_subelements %parallel_loop3A_222, 1 {pack_format = #tpu.pack_format<interleaved>} : vector<32xbf16> -> vector<16xf32>
        %parallel_loop3A_225 = arith.mulf %parallel_loop3A_223, %parallel_loop3A_223 : vector<16xf32>
        %parallel_loop3A_226 = arith.mulf %parallel_loop3A_224, %parallel_loop3A_224 : vector<16xf32>
        %parallel_loop3A_227 = arith.addf %parallel_loop3A_214, %parallel_loop3A_215 : vector<16xf32>
        %parallel_loop3A_228 = arith.addf %parallel_loop3A_225, %parallel_loop3A_226 : vector<16xf32>
        %parallel_loop3A_229 = arith.addf %parallel_loop3A_227, %parallel_loop3A_228 : vector<16xf32>
        %parallel_loop3A_230 = arith.constant true
        %parallel_loop3A_231 = vector.broadcast %parallel_loop3A_230 : i1 to vector<16xi1>
        %parallel_loop3A_232 = tpu.scan <sum>, %parallel_loop3A_229 masked %parallel_loop3A_231 : vector<16xf32>, vector<16xi1> -> vector<16xf32>
        %parallel_loop3A_233 = arith.index_cast %parallel_loop3A_204 : i32 to index
        %parallel_loop3A_234 = arith.constant 0 : index
        %parallel_loop3A_235 = tpu.vector_load %arg18[%parallel_loop3A_233, %parallel_loop3A_234] {strides = array<i32>} : memref<400x16xf32, #tpu.memory_space<vmem>>, vector<16xf32>,
        tpu.vector_store %arg18[%parallel_loop3A_233, %parallel_loop3A_234], %parallel_loop3A_232 {strides = array<i32>} : memref<400x16xf32, #tpu.memory_space<vmem>>, vector<16xf32>,
      } {sc.loop_unroll_factor = 2 : i64, sc.parallel_access}
      %get3A_196 = arith.constant 0 : index
      %get3A_197 = tpu.vector_load %arg20[%get3A_196] {strides = array<i32>} : memref<16xf32, #tpu.memory_space<vmem>>, vector<16xf32>,
      %parallel_loop3A_198 = arith.constant 0 : i32
      %parallel_loop3A_199 = arith.constant 25 : i32
      %parallel_loop3A_200 = arith.constant 1 : i32
      %parallel_loop3A_201 = scf.for %parallel_loop3A_204 = %parallel_loop3A_198 to %parallel_loop3A_199 step %parallel_loop3A_200 iter_args(%parallel_loop3A_205 = %get3A_197) -> (vector<16xf32>)  : i32 {
        %parallel_loop3A_206 = arith.constant 16 : i32
        %parallel_loop3A_207 = arith.muli %parallel_loop3A_204, %parallel_loop3A_206 : i32
        %parallel_loop3A_208 = vector.broadcast %parallel_loop3A_207 : i32 to vector<16xi32>
        %parallel_loop3A_209 = arith.addi %iota3A, %parallel_loop3A_208 : vector<16xi32>
        %parallel_loop3A_210 = arith.constant 15 : i32
        %parallel_loop3A_211 = vector.broadcast %parallel_loop3A_210 : i32 to vector<16xi32>
        %parallel_loop3A_212 = tpu.vector_load_idx %arg18[%parallel_loop3A_209, %parallel_loop3A_211] : memref<400x16xf32, #tpu.memory_space<vmem>>[vector<16xi32>, vector<16xi32>], vector<16xf32>,
        %parallel_loop3A_213 = tpu.vector_load_idx %arg16[%parallel_loop3A_209] : memref<400xi32, #tpu.memory_space<vmem>>[vector<16xi32>], vector<16xi32>,
        %parallel_loop3A_214 = tpu.vector_load_idx %arg17[%parallel_loop3A_209] : memref<400xi32, #tpu.memory_space<vmem>>[vector<16xi32>], vector<16xi32>,
        %parallel_loop3A_215 = arith.subf %get3A_48, %parallel_loop3A_212 : vector<16xf32>
        %parallel_loop3A_216 = arith.maximumf %broadcast_in_dim3A_49, %parallel_loop3A_215 : vector<16xf32>
        %parallel_loop3A_217 = arith.cmpi eq, %parallel_loop3A_213, %parallel_loop3A_214 : vector<16xi32>
        %parallel_loop3A_218 = arith.select %parallel_loop3A_217, %parallel_loop3A_212, %parallel_loop3A_216 : vector<16xi1>, vector<16xf32>
        %parallel_loop3A_219 = arith.addf %parallel_loop3A_205, %parallel_loop3A_218 : vector<16xf32>
        scf.yield %parallel_loop3A_219 : vector<16xf32>
      } {sc.loop_unroll_factor = 1 : i64, sc.parallel_access}
      %swap3A_202 = arith.constant 0 : index
      %swap3A_203 = tpu.vector_load %arg20[%swap3A_202] {strides = array<i32>} : memref<16xf32, #tpu.memory_space<vmem>>, vector<16xf32>,
      tpu.vector_store %arg20[%swap3A_202], %parallel_loop3A_201 {strides = array<i32>} : memref<16xf32, #tpu.memory_space<vmem>>, vector<16xf32>,
    }
    %jit3A_104 = arith.constant 2 : i32
    %eq3A = arith.constant 0 : i32
    %eq3A_105 = arith.cmpi eq, %jit3A_104, %eq3A : i32
    %jit3A_106 = arith.constant 1 : i32
    %select_n3A_107 = arith.select %eq3A_105, %jit3A_106, %jit3A_104 : i32
    %rem3A_108 = arith.remsi %sub3A_47, %select_n3A_107 : i32
    %ne3A_109 = arith.constant 0 : i32
    %ne3A_110 = arith.cmpi ne, %rem3A_108, %ne3A_109 : i32
    %lt3A = arith.constant 0 : i32
    %lt3A_111 = arith.cmpi slt, %rem3A_108, %lt3A : i32
    %lt3A_112 = arith.constant 0 : i32
    %lt3A_113 = arith.cmpi slt, %select_n3A_107, %lt3A_112 : i32
    %ne3A_114 = arith.xori %lt3A_111, %lt3A_113 : i1
    %and3A_115 = arith.andi %ne3A_114, %ne3A_110 : i1
    %add3A_116 = arith.addi %rem3A_108, %select_n3A_107 : i32
    %select_n3A_117 = arith.select %and3A_115, %add3A_116, %rem3A_108 : i32
    %eq3A_118 = arith.constant 1 : i32
    %eq3A_119 = arith.cmpi eq, %select_n3A_117, %eq3A_118 : i32
    %convert_element_type3A = arith.extui %eq3A_119 : i1 to i32
    %cond3A = arith.constant 0 : i32
    %cond3A_120 = arith.cmpi ne, %convert_element_type3A, %cond3A : i32
    scf.if %cond3A_120 {
      %dma_wait3A = arith.constant 0 : i32
      %dma_wait3A_121 = tpu.memref_slice %arg8[%dma_wait3A] : memref<31600xi32, #tpu.memory_space<vmem>> -> memref<400xi32, #tpu.memory_space<vmem>>
      %dma_wait3A_122 = arith.constant 0 : i32
      %dma_wait3A_123 = arith.constant 0 : i32
      %dma_wait3A_124 = tpu.memref_slice %arg2[%dma_wait3A_122, %dma_wait3A_123] : memref<100000x64xbf16, #tpu.memory_space<hbm>> -> memref<100000x64xbf16, #tpu.memory_space<hbm>>
      tpu.wait_indirect_dma semaphore(%arg21 : memref<!tpu.dma_semaphore, #tpu.memory_space<semaphore_mem>>) src(%dma_wait3A_124 : memref<100000x64xbf16, #tpu.memory_space<hbm>>) dst(%arg10 : memref<400x64xbf16, #tpu.memory_space<vmem>>)
      %dma_wait3A_125 = arith.constant 0 : i32
      %dma_wait3A_126 = tpu.memref_slice %arg8[%dma_wait3A_125] : memref<31600xi32, #tpu.memory_space<vmem>> -> memref<400xi32, #tpu.memory_space<vmem>>
      %dma_wait3A_127 = arith.constant 0 : i32
      %dma_wait3A_128 = arith.constant 0 : i32
      %dma_wait3A_129 = tpu.memref_slice %arg2[%dma_wait3A_127, %dma_wait3A_128] : memref<100000x64xbf16, #tpu.memory_space<hbm>> -> memref<100000x64xbf16, #tpu.memory_space<hbm>>
      tpu.wait_indirect_dma semaphore(%arg21 : memref<!tpu.dma_semaphore, #tpu.memory_space<semaphore_mem>>) src(%dma_wait3A_129 : memref<100000x64xbf16, #tpu.memory_space<hbm>>) dst(%arg11 : memref<400x64xbf16, #tpu.memory_space<vmem>>)
      %dma_wait3A_130 = arith.constant 0 : i32
      %dma_wait3A_131 = tpu.memref_slice %arg8[%dma_wait3A_130] : memref<31600xi32, #tpu.memory_space<vmem>> -> memref<400xi32, #tpu.memory_space<vmem>>
      %dma_wait3A_132 = arith.constant 0 : i32
      %dma_wait3A_133 = tpu.memref_slice %arg5[%dma_wait3A_132] : memref<100000xi32, #tpu.memory_space<hbm>> -> memref<100000xi32, #tpu.memory_space<hbm>>
      tpu.wait_indirect_dma semaphore(%arg21 : memref<!tpu.dma_semaphore, #tpu.memory_space<semaphore_mem>>) src(%dma_wait3A_133 : memref<100000xi32, #tpu.memory_space<hbm>>) dst(%arg14 : memref<400xi32, #tpu.memory_space<vmem>>)
      %dma_wait3A_134 = arith.constant 0 : i32
      %dma_wait3A_135 = tpu.memref_slice %arg8[%dma_wait3A_134] : memref<31600xi32, #tpu.memory_space<vmem>> -> memref<400xi32, #tpu.memory_space<vmem>>
      %dma_wait3A_136 = arith.constant 0 : i32
      %dma_wait3A_137 = tpu.memref_slice %arg5[%dma_wait3A_136] : memref<100000xi32, #tpu.memory_space<hbm>> -> memref<100000xi32, #tpu.memory_space<hbm>>
      tpu.wait_indirect_dma semaphore(%arg21 : memref<!tpu.dma_semaphore, #tpu.memory_space<semaphore_mem>>) src(%dma_wait3A_137 : memref<100000xi32, #tpu.memory_space<hbm>>) dst(%arg15 : memref<400xi32, #tpu.memory_space<vmem>>)
      %parallel_loop3A = arith.constant 0 : i32
      %parallel_loop3A_138 = arith.constant 400 : i32
      %parallel_loop3A_139 = arith.constant 1 : i32
      scf.for %parallel_loop3A_148 = %parallel_loop3A to %parallel_loop3A_138 step %parallel_loop3A_139  : i32 {
        %parallel_loop3A_149 = arith.index_cast %parallel_loop3A_148 : i32 to index
        %parallel_loop3A_150 = arith.constant 0 : index
        %parallel_loop3A_151 = tpu.vector_load %arg10[%parallel_loop3A_149, %parallel_loop3A_150] {strides = array<i32>} : memref<400x64xbf16, #tpu.memory_space<vmem>>, vector<32xbf16>,
        %parallel_loop3A_152 = arith.index_cast %parallel_loop3A_148 : i32 to index
        %parallel_loop3A_153 = arith.constant 0 : index
        %parallel_loop3A_154 = tpu.vector_load %arg11[%parallel_loop3A_152, %parallel_loop3A_153] {strides = array<i32>} : memref<400x64xbf16, #tpu.memory_space<vmem>>, vector<32xbf16>,
        %parallel_loop3A_155 = arith.subf %parallel_loop3A_151, %parallel_loop3A_154 : vector<32xbf16>
        %parallel_loop3A_156 = tpu.unpack_subelements %parallel_loop3A_155, 0 {pack_format = #tpu.pack_format<interleaved>} : vector<32xbf16> -> vector<16xf32>
        %parallel_loop3A_157 = tpu.unpack_subelements %parallel_loop3A_155, 1 {pack_format = #tpu.pack_format<interleaved>} : vector<32xbf16> -> vector<16xf32>
        %parallel_loop3A_158 = arith.mulf %parallel_loop3A_156, %parallel_loop3A_156 : vector<16xf32>
        %parallel_loop3A_159 = arith.mulf %parallel_loop3A_157, %parallel_loop3A_157 : vector<16xf32>
        %parallel_loop3A_160 = arith.index_cast %parallel_loop3A_148 : i32 to index
        %parallel_loop3A_161 = arith.constant 32 : index
        %parallel_loop3A_162 = tpu.vector_load %arg10[%parallel_loop3A_160, %parallel_loop3A_161] {strides = array<i32>} : memref<400x64xbf16, #tpu.memory_space<vmem>>, vector<32xbf16>,
        %parallel_loop3A_163 = arith.index_cast %parallel_loop3A_148 : i32 to index
        %parallel_loop3A_164 = arith.constant 32 : index
        %parallel_loop3A_165 = tpu.vector_load %arg11[%parallel_loop3A_163, %parallel_loop3A_164] {strides = array<i32>} : memref<400x64xbf16, #tpu.memory_space<vmem>>, vector<32xbf16>,
        %parallel_loop3A_166 = arith.subf %parallel_loop3A_162, %parallel_loop3A_165 : vector<32xbf16>
        %parallel_loop3A_167 = tpu.unpack_subelements %parallel_loop3A_166, 0 {pack_format = #tpu.pack_format<interleaved>} : vector<32xbf16> -> vector<16xf32>
        %parallel_loop3A_168 = tpu.unpack_subelements %parallel_loop3A_166, 1 {pack_format = #tpu.pack_format<interleaved>} : vector<32xbf16> -> vector<16xf32>
        %parallel_loop3A_169 = arith.mulf %parallel_loop3A_167, %parallel_loop3A_167 : vector<16xf32>
        %parallel_loop3A_170 = arith.mulf %parallel_loop3A_168, %parallel_loop3A_168 : vector<16xf32>
        %parallel_loop3A_171 = arith.addf %parallel_loop3A_158, %parallel_loop3A_159 : vector<16xf32>
        %parallel_loop3A_172 = arith.addf %parallel_loop3A_169, %parallel_loop3A_170 : vector<16xf32>
        %parallel_loop3A_173 = arith.addf %parallel_loop3A_171, %parallel_loop3A_172 : vector<16xf32>
        %parallel_loop3A_174 = arith.constant true
        %parallel_loop3A_175 = vector.broadcast %parallel_loop3A_174 : i1 to vector<16xi1>
        %parallel_loop3A_176 = tpu.scan <sum>, %parallel_loop3A_173 masked %parallel_loop3A_175 : vector<16xf32>, vector<16xi1> -> vector<16xf32>
        %parallel_loop3A_177 = arith.index_cast %parallel_loop3A_148 : i32 to index
        %parallel_loop3A_178 = arith.constant 0 : index
        %parallel_loop3A_179 = tpu.vector_load %arg18[%parallel_loop3A_177, %parallel_loop3A_178] {strides = array<i32>} : memref<400x16xf32, #tpu.memory_space<vmem>>, vector<16xf32>,
        tpu.vector_store %arg18[%parallel_loop3A_177, %parallel_loop3A_178], %parallel_loop3A_176 {strides = array<i32>} : memref<400x16xf32, #tpu.memory_space<vmem>>, vector<16xf32>,
      } {sc.loop_unroll_factor = 2 : i64, sc.parallel_access}
      %get3A_140 = arith.constant 0 : index
      %get3A_141 = tpu.vector_load %arg20[%get3A_140] {strides = array<i32>} : memref<16xf32, #tpu.memory_space<vmem>>, vector<16xf32>,
      %parallel_loop3A_142 = arith.constant 0 : i32
      %parallel_loop3A_143 = arith.constant 25 : i32
      %parallel_loop3A_144 = arith.constant 1 : i32
      %parallel_loop3A_145 = scf.for %parallel_loop3A_148 = %parallel_loop3A_142 to %parallel_loop3A_143 step %parallel_loop3A_144 iter_args(%parallel_loop3A_149 = %get3A_141) -> (vector<16xf32>)  : i32 {
        %parallel_loop3A_150 = arith.constant 16 : i32
        %parallel_loop3A_151 = arith.muli %parallel_loop3A_148, %parallel_loop3A_150 : i32
        %parallel_loop3A_152 = vector.broadcast %parallel_loop3A_151 : i32 to vector<16xi32>
        %parallel_loop3A_153 = arith.addi %iota3A, %parallel_loop3A_152 : vector<16xi32>
        %parallel_loop3A_154 = arith.constant 15 : i32
        %parallel_loop3A_155 = vector.broadcast %parallel_loop3A_154 : i32 to vector<16xi32>
        %parallel_loop3A_156 = tpu.vector_load_idx %arg18[%parallel_loop3A_153, %parallel_loop3A_155] : memref<400x16xf32, #tpu.memory_space<vmem>>[vector<16xi32>, vector<16xi32>], vector<16xf32>,
        %parallel_loop3A_157 = tpu.vector_load_idx %arg14[%parallel_loop3A_153] : memref<400xi32, #tpu.memory_space<vmem>>[vector<16xi32>], vector<16xi32>,
        %parallel_loop3A_158 = tpu.vector_load_idx %arg15[%parallel_loop3A_153] : memref<400xi32, #tpu.memory_space<vmem>>[vector<16xi32>], vector<16xi32>,
        %parallel_loop3A_159 = arith.subf %get3A_48, %parallel_loop3A_156 : vector<16xf32>
        %parallel_loop3A_160 = arith.maximumf %broadcast_in_dim3A_49, %parallel_loop3A_159 : vector<16xf32>
        %parallel_loop3A_161 = arith.cmpi eq, %parallel_loop3A_157, %parallel_loop3A_158 : vector<16xi32>
        %parallel_loop3A_162 = arith.select %parallel_loop3A_161, %parallel_loop3A_156, %parallel_loop3A_160 : vector<16xi1>, vector<16xf32>
        %parallel_loop3A_163 = arith.addf %parallel_loop3A_149, %parallel_loop3A_162 : vector<16xf32>
        scf.yield %parallel_loop3A_163 : vector<16xf32>
      } {sc.loop_unroll_factor = 1 : i64, sc.parallel_access}
      %swap3A_146 = arith.constant 0 : index
      %swap3A_147 = tpu.vector_load %arg20[%swap3A_146] {strides = array<i32>} : memref<16xf32, #tpu.memory_space<vmem>>, vector<16xf32>,
      tpu.vector_store %arg20[%swap3A_146], %parallel_loop3A_145 {strides = array<i32>} : memref<16xf32, #tpu.memory_space<vmem>>, vector<16xf32>,
    } else {
    }
    "tpu.region"() ({
      %run_scoped3A = tpu.sem_alloc : memref<!tpu.dma_semaphore, #tpu.memory_space<semaphore_mem>>
      %dma_start3A_121 = arith.constant 0 : i32
      %dma_start3A_122 = tpu.memref_slice %arg7[%add3A, %dma_start3A_121] : memref<32x16xf32, #tpu.memory_space<hbm>> -> memref<1x16xf32, #tpu.memory_space<hbm>>
      %dma_start3A_123 = tpu.memref_squeeze %dma_start3A_122 : memref<1x16xf32, #tpu.memory_space<hbm>> -> memref<16xf32, #tpu.memory_space<hbm>>
      %dma_start3A_124 = arith.constant 0 : i32
      %dma_start3A_125 = tpu.memref_slice %arg7[%add3A, %dma_start3A_124] : memref<32x16xf32, #tpu.memory_space<hbm>> -> memref<1x16xf32, #tpu.memory_space<hbm>>
      %dma_start3A_126 = tpu.memref_squeeze %dma_start3A_125 : memref<1x16xf32, #tpu.memory_space<hbm>> -> memref<16xf32, #tpu.memory_space<hbm>>
      tpu.enqueue_dma source(%arg20 : memref<16xf32, #tpu.memory_space<vmem>>) target(%dma_start3A_126 : memref<16xf32, #tpu.memory_space<hbm>>) target_semaphore(%run_scoped3A : memref<!tpu.dma_semaphore, #tpu.memory_space<semaphore_mem>>)
      %dma_wait3A = arith.constant 0 : i32
      %dma_wait3A_127 = tpu.memref_slice %arg7[%add3A, %dma_wait3A] : memref<32x16xf32, #tpu.memory_space<hbm>> -> memref<1x16xf32, #tpu.memory_space<hbm>>
      %dma_wait3A_128 = tpu.memref_squeeze %dma_wait3A_127 : memref<1x16xf32, #tpu.memory_space<hbm>> -> memref<16xf32, #tpu.memory_space<hbm>>
      %dma_wait3A_129 = arith.constant 0 : i32
      %dma_wait3A_130 = tpu.memref_slice %arg7[%add3A, %dma_wait3A_129] : memref<32x16xf32, #tpu.memory_space<hbm>> -> memref<1x16xf32, #tpu.memory_space<hbm>>
      %dma_wait3A_131 = tpu.memref_squeeze %dma_wait3A_130 : memref<1x16xf32, #tpu.memory_space<hbm>> -> memref<16xf32, #tpu.memory_space<hbm>>
      tpu.wait_dma2 semaphore(%run_scoped3A : memref<!tpu.dma_semaphore, #tpu.memory_space<semaphore_mem>>) src(%arg20 : memref<16xf32, #tpu.memory_space<vmem>>) dst(%dma_wait3A_131 : memref<16xf32, #tpu.memory_space<hbm>>)
      tpu.yield
    }) : () -> ()
    return
  }
}

</mosaic_0001>

<sc_bundles>
// kernel: kernel.3.cloned.1.call-start
scs
__scs_entry_jumppad:
0x0: {  	(pc) =	sbr.rel $0x88, $3  }
0x1: {  	(tag) =	ssettag $0x0;
	lr =	simm.s32 $0x1  }
0x2: {  	[smem:$0x3F9D] =	sst lr;
	_ =	strace $0xD0000000  }
0x3: {  	_ = 	snop  }
0x4: {  	_ = 	snop  }
0x5: {  	_ = 	snop  }
0x6: {  	_ = 	snop  }
0x7: {  	_ = 	snop  }
__scs_overlays_trampoline_lowered:
0x8: {  	[smem:$0x3FAC] =	sst s0  }
0x9: {  	[smem:$0x3FAD] =	sst s1  }
0xa: {  	[smem:$0x3FAE] =	sst s2  }
0xb: {  	[smem:$0x3FAF] =	sst s3  }
0xc: {  	[smem:$0x3FB0] =	sst s4  }
0xd: {  	[smem:$0x3FB1] =	sst s5  }
0xe: {  	[smem:$0x3FB2] =	sst s6  }
0xf: {  	[smem:$0x3FB3] =	sst s7  }
0x10: {  	[smem:$0x3FB4] =	sst s8  }
0x11: {  	[smem:$0x3FB5] =	sst s9;
	s0 =	simm.s32 @!p0 $0x0  }
0x12: {  	s1 =	sld [smem:$0x3F9B];
	s0 =	simm.s32 @p0 $0x1  }
0x13: {  	[smem:$0x3FB6] =	sst s0;
	s0 =	simm.s32 @!p1 $0x0  }
0x14: {  	s2 =	sld [smem:$0x3F9A];
	s0 =	simm.s32 @p1 $0x1  }
0x15: {  	[smem:$0x3FB7] =	sst s0;
	s0 =	simm.s32 @!p2 $0x0  }
0x16: {  	s3 =	sld [smem:$0x3FDB];
	s0 =	simm.s32 @p2 $0x1  }
0x17: {  	s4 =	simm.s32 $0x1BF5;
	[smem:$0x3FB9] =	sst s0  }
0x18: {  	s0 =	sld [smem:$0x3F9C];
	_ =	swait.ge [sflag:s4], $0x0  }
0x19: {  	s7 =	sld [smem:$0x3F9D]  }
0x1a: {  	s8 =	sadd.s32 $0xFFFFE003, lr  }
0x1b: {  	s9 =	sadd.s32 $0xFFFFFEF7, lr;
	s5 =	simm.s32 $0xFFFFFFFF;
	p2 =	slt.u32 s8, $0xFFFFF086  }
0x1c: {  	p1 =	slt.u32 s9, $0xF7A;
	s5 =	simm.s32 @!p2 $0x0  }
0x1d: {  	s5 =	simm.s32 @p1 $0x1;
	p0 =	seq.s32 s7, s2  }
0x1e: {  	s7 =	smul.u32 @!p0 $0xF7A, s2;
	p2 =	seq.s32 @!p0 s5, $0x0  }
0x1f: {  	s9 =	smul.u32 $0xF7A, s1;
	s8 =	simm.s32 @!p0 $0x1BF5;
	p2 =	por !p2, p0  }
0x20: {  	[sflag:s8] =	ssyncset.s32 @!p0 $0xFFFFF086;
	s6 =	sadd.s32 @!p0 s3, s7;
	s7 =	simm.s32 @!p0 $0x108  }
0x21: {  	s3 =	sadd.s32 s3, s9;
	s6 =	sadd.s32 @!p0 $0x88, s6;
	s7 =	simm.s32 @p2 $0x1082  }
0x22: {  	[simem:s7], [sflag:s8] =	dma.local @!p0 [hbm:s6], $0xF7A  }
0x23: {  	s9 =	sor.u32 $0xD0000000, s2;
	s6 =	simm.s32 $0x108;
	_ =	swait.ge @!p0 [sflag:s8], $0x0  }
0x24: {  	s3 =	sadd.s32 $0x88, s3;
	s6 =	simm.s32 @!p1 $0x1082;
	[sflag:s4] =	ssyncset.s32 $0xFFFFF086  }
0x25: {  	[simem:s6], [sflag:s4] =	dma.local [hbm:s3], $0xF7A  }
0x26: {  	[smem:$0x3F9D] =	sst s1;
	(tag) =	ssettag s2;
	_ =	strace s9  }
0x27: {  	s1 =	sld [smem:$0x3FAD]  }
0x28: {  	s2 =	sld [smem:$0x3FAE]  }
0x29: {  	s4 =	sld [smem:$0x3FB0]  }
0x2a: {  	p0 =	seq.s32 s5, $0x0;
	s5 =	sld [smem:$0x3FB1]  }
0x2b: {  	s6 =	sld [smem:$0x3FB2]  }
0x2c: {  	s7 =	sld [smem:$0x3FB3]  }
0x2d: {  	s3 =	simm.s32 $0x108;
	s8 =	sld [smem:$0x3FB4]  }
0x2e: {  	s3 =	simm.s32 @!p0 $0x1082;
	s9 =	sld [smem:$0x3FB5]  }
0x2f: {  	lr =	sadd.s32 s0, s3;
	s0 =	sld [smem:$0x3FAC]  }
0x30: {  	s3 =	sld [smem:$0x3FAF]  }
0x31: {  	[smem:$0x3FB8] =	sst s10  }
0x32: {  	s10 =	sld [smem:$0x3FB6];
	_ =	sdelay $0x3  }
0x33: {  	p0 =	seq.s32 s10, $0x1;
	s10 =	sld [smem:$0x3FB8];
	_ =	sdelay $0x3  }
0x34: {  	[smem:$0x3FB8] =	sst s10  }
0x35: {  	s10 =	sld [smem:$0x3FB7];
	_ =	sdelay $0x3  }
0x36: {  	p1 =	seq.s32 s10, $0x1;
	s10 =	sld [smem:$0x3FB8];
	_ =	sdelay $0x3  }
0x37: {  	[smem:$0x3FB8] =	sst s10  }
0x38: {  	s10 =	sld [smem:$0x3FB9]  }
0x39: {  	_ = 	snop;
	(pc) =	sbr.ind lr, $3  }
0x3a: {  	_ = 	snop  }
0x3b: {  	_ = 	snop  }
0x3c: {  	p2 =	seq.s32 s10, $0x1;
	s10 =	sld [smem:$0x3FB8]  }
0x3d: {  	_ =	shalt  }
0x3e: {  	_ =	shalt  }
0x3f: {  	_ =	shalt  }
0x40: {  	_ =	shalt  }
0x41: {  	_ =	shalt  }
0x42: {  	_ =	shalt  }
0x43: {  	_ =	shalt  }
0x44: {  	_ =	shalt  }
0x45: {  	_ =	shalt  }
0x46: {  	_ =	shalt  }
0x47: {  	_ =	shalt  }
0x48: {  	_ =	shalt  }
0x49: {  	_ =	shalt  }
0x4a: {  	_ =	shalt  }
0x4b: {  	_ =	shalt  }
0x4c: {  	_ =	shalt  }
0x4d: {  	_ =	shalt  }
0x4e: {  	_ =	shalt  }
0x4f: {  	_ =	shalt  }
0x50: {  	_ =	shalt  }
0x51: {  	_ =	shalt  }
0x52: {  	_ =	shalt  }
0x53: {  	_ =	shalt  }
0x54: {  	_ =	shalt  }
0x55: {  	_ =	shalt  }
0x56: {  	_ =	shalt  }
0x57: {  	_ =	shalt  }
0x58: {  	_ =	shalt  }
0x59: {  	_ =	shalt  }
0x5a: {  	_ =	shalt  }
0x5b: {  	_ =	shalt  }
0x5c: {  	_ =	shalt  }
0x5d: {  	_ =	shalt  }
0x5e: {  	_ =	shalt  }
0x5f: {  	_ =	shalt  }
0x60: {  	_ =	shalt  }
0x61: {  	_ =	shalt  }
0x62: {  	_ =	shalt  }
0x63: {  	_ =	shalt  }
0x64: {  	_ =	shalt  }
0x65: {  	_ =	shalt  }
0x66: {  	_ =	shalt  }
0x67: {  	_ =	shalt  }
0x68: {  	_ =	shalt  }
0x69: {  	_ =	shalt  }
0x6a: {  	_ =	shalt  }
0x6b: {  	_ =	shalt  }
0x6c: {  	_ =	shalt  }
0x6d: {  	_ =	shalt  }
0x6e: {  	_ =	shalt  }
0x6f: {  	_ =	shalt  }
0x70: {  	_ =	shalt  }
0x71: {  	_ =	shalt  }
0x72: {  	_ =	shalt  }
0x73: {  	_ =	shalt  }
0x74: {  	_ =	shalt  }
0x75: {  	_ =	shalt  }
0x76: {  	_ =	shalt  }
0x77: {  	_ =	shalt  }
0x78: {  	_ =	shalt  }
0x79: {  	_ =	shalt  }
0x7a: {  	_ =	shalt  }
0x7b: {  	_ =	shalt  }
0x7c: {  	_ =	shalt  }
0x7d: {  	_ =	shalt  }
0x7e: {  	_ =	shalt  }
0x7f: {  	_ =	shalt  }
0x80: {  	_ =	shalt  }
0x81: {  	_ =	shalt  }
0x82: {  	_ =	shalt  }
0x83: {  	_ =	shalt  }
0x84: {  	_ =	shalt  }
0x85: {  	_ =	shalt  }
0x86: {  	_ =	shalt  }
0x87: {  	_ =	shalt  }
.Lfunc_end0:
.L_simem_size_0:
called_computation_lowered:
.L_overlay_start_0:
0x88: {  	s2 =	sld [smem:$0x3FD9]  }
0x89: {  	s3 =	sld [smem:$0x3FFE];
	_ =	sdelay $0x1  }
0x8a: {  	s1 =	srdreg.scid  }
0x8b: {  	s0 =	sand.u32 $0x1, s1  }
0x8c: {  	s17 =	sshll.u32 s0, $0xA;
	s2 =	sadd.s32 s3, s2  }
0x8d: {  	s2 =	sadd.s32 s2, s17  }
0x8e: {  	[smem:$0x3FC4] =	sst s2  }
0x8f: {  	_ = 	snop  }
0x90: {  	s2 =	sld [smem:$0x3FC8]  }
0x91: {  	s18 =	sld [smem:$0x3FD0];
	(tm) =	ssettm $0x1  }
0x92: {  	s4 =	sld [smem:$0x3FFB];
	_ =	sdelay $0x3  }
0x93: {  	_ =	strace s4  }
0x94: {  	s4 =	sld [smem:$0x3FFC];
	_ =	sdelay $0x3  }
0x95: {  	_ =	strace s4  }
0x96: {  	s4 =	sld [smem:$0x3FFD];
	_ =	sdelay $0x3  }
0x97: {  	_ =	strace s4  }
0x98: {  	_ =	strace $0x8FFFFFFF  }
0x99: {  	s19 =	sld [smem:$0x3FDB];
	_ =	sdelay $0x1  }
0x9a: {  	s5 =	simm.s32 $_scs_section_size  }
0x9b: {  	s6 =	simm.s32 $_size__tile_overlayer_lowered;
	s7 =	simm.s32 $_tile_overlayer_lowered  }
0x9c: {  	s22 =	simm.s32 $0x1BFF;
	s21 =	sshll.u32 s7, $0x1;
	s4 =	sadd.s32 s5, s19  }
0x9d: {  	s8 =	simm.s32 $0x0;
	s20 =	sshll.u32 s6, $0x1;
	s6 =	sadd.s32 s21, s4  }
0x9e: {  	[timem:s8], [sflag:s22] =	dma.local [hbm:s6], s20  }
0x9f: {  	_ =	swait.ge [sflag:s22], s20  }
0xa0: {  	s5 =	ssub.s32 $0x0, s20;
	[sflag:s22] =	ssyncset.done $0x0  }
0xa1: {  	[sflag:s22] =	ssyncadd.s32 s5;
	_ =	sdelay $0x1  }
0xa2: {  	s23 =	simm.s32 $0x1B8B  }
0xa3: {  	_ =	swait.ge [sflag:s23], $0x1  }
0xa4: {  	[sflag:s23] =	ssyncset.done $0x0  }
0xa5: {  	s25 =	simm.s32 $0x1B8E;
	s24 =	sld [smem:$0x3FFE];
	[sflag:s23] =	ssyncadd.s32 $0xFFFFFFFF  }
0xa6: {  	s26 =	simm.s32 $execute0_lowered;
	[smem:$0x3FD2] =	sst s25  }
0xa7: {  	s6 =	sshll.u32 s26, $0x1;
	_ =	strace $0x80000046;
	[dreg:$0x1] =	wrdreg $0xFFFFFFFF  }
0xa8: {  	s28 =	simm.s32 $_size_execute0_lowered;
	s4 =	sadd.s32 s4, s6;
	[dreg:$0x0] =	wrdreg $0x0  }
0xa9: {  	s6 =	sshll.u32 s28, $0x1;
	[dreg:$0x2] =	wrdreg s4  }
0xaa: {  	[dreg:$0x3] =	wrdreg s6  }
0xab: {  	[dreg:$0x4] =	wrdreg $0xC0  }
0xac: {  	_ =	task [dreg:s8], $0x5FFFF  }
0xad: {  	[dreg:$0x1] =	wrdreg $0xFFFFFFFF  }
0xae: {  	[dreg:$0x0] =	wrdreg $0x60  }
0xaf: {  	[dreg:$0x2] =	wrdreg s24  }
0xb0: {  	[dreg:$0x3] =	wrdreg s2  }
0xb1: {  	[dreg:$0x4] =	wrdreg s18  }
0xb2: {  	[dreg:$0x5] =	wrdreg $0x9  }
0xb3: {  	_ =	task.clear_ibuf [dreg:s8], $0x6FFFF;
	_ =	strace $0x90000046  }
0xb4: {  	s29 =	simm.s32 $0x9;
	_ =	strace $0x80000048  }
0xb5: {  	_ =	swait.ge [sflag:s29], $0x1  }
0xb6: {  	[sflag:s29] =	ssyncadd.s32 $0xFFFFFFFF  }
0xb7: {  	_ =	strace $0x90000048  }
0xb8: {  	_ =	sfence  }
0xb9: {  	s30 =	sld [smem:$0x0];
	_ =	sdelay $0x2  }
0xba: {  	s31 =	sshll.u32 s1, $0xD;
	s1 =	sshrl.u32 s1, $0x2  }
0xbb: {  	s3 =	sand.u32 $0x4000, s31;
	s1 =	sadd.s32 s1, s30  }
0xbc: {  	s0 =	sor.u32 s3, s0;
	s1 =	sshll.u32 s1, $0x11  }
0xbd: {  	s0 =	sor.u32 s1, s0  }
0xbe: {  	s0 =	sadd.s32 $0x8F2B, s0  }
0xbf: {  	[sflag:s0] =	ssyncadd.remote.s32 $0x1  }
0xc0: {  	_ =	sfence.sel $0xFFFF  }
0xc1: {  	[dreg:$0x0] =	wrdreg $0xFFFFFFFF;
	(pc) =	sbr.abs _section_cstart, $3  }
0xc2: {  	[dreg:$0x1] =	wrdreg $0xFFFFFFFF  }
0xc3: {  	_ =	task.clear_ibuf [dreg:s8], $0x2FFFF;
	_ =	strace $0x9FFFFFFF  }
0xc4: {  	(tm) =	ssettm $0x7FFFFFFF  }
0xc5: {  	_ =	shalt  }
tec
execute0_lowered:
.L_overlay_start_1:
0x0: {  	(tag) =	ssettag $0x1  }
0x1: {  	s0 =	srdreg.scid  }
0x2: {  	s1 =	stileid.u32;
	s2 =	rddreg [dreg:$0x0]  }
0x3: {  	s3 =	rddreg [dreg:$0x1];
	s14 =	simm.s32 $0x3;
	s15 =	simm.s32 $0x7B70  }
0x4: {  	s16 =	simm.s32 $0x190;
	s17 =	simm.s32 $0xF6E0;
	s18 =	simm.s32 $0x128E0  }
0x5: {  	s19 =	simm.s32 $0x1BEE0;
	s0 =	sand.u32 $0x1, s0;
	s1 =	sshll.u32 s1, $0x1  }
0x6: {  	s20 =	simm.s32 $0x1C070;
	s21 =	simm.s32 $0x15AE0;
	s1 =	sor.u32 s0, s1  }
0x7: {  	s22 =	simm.s32 $0x18CE0;
	s23 =	simm.s32 $0x1C200;
	s4 =	smul.u32 $0x9C4, s1  }
0x8: {  	s24 =	simm.s32 $0x1C390;
	s28 =	simm.s32 $0x1DE30;
	s29 =	simm.s32 $0x0  }
0x9: {  	s0 =	ssub.s32 $0x2, s0;
	s1 =	sshll.u32 s1, $0x1;
	s5 =	sadd.s32 $0x9C4, s4  }
0xa: {  	s26 =	sshrl.u32 s0, $0x1;
	s4 =	sshrl.u32 s4, $0x5;
	s7 =	sshrl.u32 s5, $0x5  }
0xb: {  	s1 =	sadd.s32 s1, s2;
	s0 =	ssub.s32 s0, s26;
	s6 =	ssub.s32 s7, s4  }
0xc: {  	s26 =	simm.s32 $0x2;
	s12 =	smax.u32 s0, $0x1;
	s9 =	sand.u32 $0x8000, s6  }
0xd: {  	s5 =	simm.s32 $0x0;
	s8 =	smul.u32 $0x32, s4;
	s9 =	sshrl.u32 s9, $0xF  }
0xe: {  	[smem:$0x7FF] =	sst s5;
	p0 =	sne.s32 s7, s4;
	s9 =	sadd.s32 s9, s6  }
0xf: {  	s4 =	simm.s32 $0x1;
	_ =	strace $0x80000047;
	s25 =	sand.u32 $0xFFFFFFFE, s9  }
0x10: {  	s10 =	sshra.s32 s6, $0x1F;
	s4 =	simm.s32 @!p0 $0x0;
	s11 =	ssub.s32 s6, s25  }
0x11: {  	s8 =	sadd.s32 s8, s2;
	s4 =	sor.u32 s4, s10;
	s7 =	sand.u32 $0xFFFF, s11  }
0x12: {  	s10 =	simm.s32 $0x1;
	p6 =	sne.s32 s4, $0x1;
	p1 =	sne.s32 s7, $0x0  }
.Ltmp0:
0x13: {  	s30 =	sshll.u32 s9, $0x10;
	p0 =	por !p1, !p6;
	(pc) =	sbr.rel .LBB2_1-.Ltmp0, $4  }
0x14: {  	s9 =	simm.s32 $0x1;
	s4 =	sshra.s32 s30, $0x11;
	p0 =	por !p0, !p0  }
0x15: {  	s25 =	simm.s32 $0x1C520;
	s31 =	sand.u32 $0x1, s11;
	s10 =	simm.s32 @!p0 $0x0  }
0x16: {  	v0 =	vlaneseq.u32;
	s11 =	sadd.s32 $0x9F000, s1;
	s7 =	sadd.s32 $0x80600, s8;
	s10 =	ssub.s32 s4, s10  }
0x17: {  	v1 =	vimm.f32 $0.0e+00;
	v2 =	vor.u32 $0xFFFFFFF8, v0;
	s8 =	sadd.s32 $0x61C00, s8;
	p1 =	seq.s32 s31, $0x0;
	p0 =	slt.s32 s10, $0x1  }
.LBB2_17:
0x18: {  	s29 =	sadd.s32 $0x1, s29  }
0x19: {  	p2 =	sne.s32 s29, s12  }
.Ltmp1:
0x1a: {  	_ = 	snop;
	(pc) =	sbr.rel @!p2 .LBB2_18-.Ltmp1, $4  }
0x1b: {  	[hbm4b:s11+s5] =	stream.linear.scatter [tilespmem:s28], [sflag:$0x3], $0x10, $0x38;
	[tilespmem:$0x1DE40] =	vst v63  }
0x1c: {  	_ =	swait.ge [sflag:s14], $0x10  }
0x1d: {  	[sflag:s14] =	ssyncset.done $0x0  }
0x1e: {  	[sflag:s14] =	ssyncadd.s32 $0xFFFFFFF0  }
.LBB2_1:
0x1f: {  	s0 =	rddreg [dreg:$0x2];
	s1 =	simm.s32 $0x1DE20  }
0x20: {  	[tilespmem:s1], [sflag:$0x3] =	stream.linear.gather [hbm4b:s0+s5], $0x10, $0x38;
	[tilespmem:$0x1DE40] =	vst v63  }
0x21: {  	_ =	swait.ge [sflag:s14], $0x10  }
0x22: {  	[sflag:s14] =	ssyncset.done $0x0  }
0x23: {  	[sflag:s14] =	ssyncadd.s32 $0xFFFFFFF0  }
0x24: {  	[tilespmem:$0x1DE30] =	vst v1  }
0x25: {  	v3 =	vld [tilespmem:$0x1DE20];
	[tilespmem:s5], [sflag:$0x3] =	stream.linear.gather [hbm4b:s7+s5], $0x7B70, $0x38  }
0x26: {  	_ =	swait.ge [sflag:s14], $0x7B70  }
0x27: {  	[sflag:s14] =	ssyncset.done $0x0  }
0x28: {  	[sflag:s14] =	ssyncadd.s32 $0xFFFF8490  }
0x29: {  	[tilespmem:s15], [sflag:$0x3] =	stream.linear.gather [hbm4b:s8+s5], $0x7B70, $0x38;
	[tilespmem:$0x1DE40] =	vst v63  }
0x2a: {  	_ =	swait.ge [sflag:s14], $0x7B70  }
0x2b: {  	[sflag:s14] =	ssyncset.done $0x0  }
0x2c: {  	[sflag:s14] =	ssyncadd.s32 $0xFFFF8490  }
0x2d: {  	[tilespmem:s17], [sflag:$0x1] =	stream.indirect.gather [hbm4b:s2+s16], $0x20, s5, s16, $0xb8;
	[tilespmem:$0x1DE40] =	vst v63  }
0x2e: {  	_ = 	snop  }
0x2f: {  	[tilespmem:s18], [sflag:$0x1] =	stream.indirect.gather [hbm4b:s2+s16], $0x20, s15, s16, $0xb8;
	[tilespmem:$0x1DE40] =	vst v63  }
.Ltmp2:
0x30: {  	_ = 	snop;
	(pc) =	sbr.rel @p0 .LBB2_11-.Ltmp2, $4  }
0x31: {  	_ = 	snop  }
0x32: {  	[tilespmem:s19], [sflag:$0x1] =	stream.indirect.gather [hbm4b:s3+s16], $0x1, s5, s16, $0xb8;
	[tilespmem:$0x1DE40] =	vst v63  }
0x33: {  	s30 =	simm.s32 $0x0  }
0x34: {  	[tilespmem:s20], [sflag:$0x1] =	stream.indirect.gather [hbm4b:s3+s16], $0x1, s15, s16, $0xb8;
	[tilespmem:$0x1DE40] =	vst v63  }
.LBB2_2:
0x35: {  	s0 =	smul.u32 $0x320, s30;
	_ =	sdelay $0x1  }
0x36: {  	s1 =	sadd.s32 $0x190, s0  }
0x37: {  	[tilespmem:s21], [sflag:$0x2] =	stream.indirect.gather [hbm4b:s2+s16], $0x20, s1, s16, $0xb8;
	[tilespmem:$0x1DE40] =	vst v63  }
0x38: {  	s0 =	sadd.s32 $0x7D00, s0  }
0x39: {  	[tilespmem:s22], [sflag:$0x2] =	stream.indirect.gather [hbm4b:s2+s16], $0x20, s0, s16, $0xb8;
	[tilespmem:$0x1DE40] =	vst v63  }
0x3a: {  	_ = 	snop  }
0x3b: {  	[tilespmem:s23], [sflag:$0x2] =	stream.indirect.gather [hbm4b:s3+s16], $0x1, s1, s16, $0xb8;
	[tilespmem:$0x1DE40] =	vst v63  }
0x3c: {  	_ = 	snop  }
0x3d: {  	[tilespmem:s24], [sflag:$0x2] =	stream.indirect.gather [hbm4b:s3+s16], $0x1, s0, s16, $0xb8;
	[tilespmem:$0x1DE40] =	vst v63  }
0x3e: {  	_ =	swait.ge [sflag:s9], $0x3200  }
0x3f: {  	[sflag:s9] =	ssyncset.done $0x0  }
0x40: {  	[sflag:s9] =	ssyncadd.s32 $0xFFFFCE00  }
0x41: {  	_ =	swait.ge [sflag:s9], $0x3200  }
0x42: {  	[sflag:s9] =	ssyncset.done $0x0  }
0x43: {  	[sflag:s9] =	ssyncadd.s32 $0xFFFFCE00  }
0x44: {  	_ =	swait.ge [sflag:s9], $0x190  }
0x45: {  	[sflag:s9] =	ssyncset.done $0x0  }
0x46: {  	[sflag:s9] =	ssyncadd.s32 $0xFFFFFE70  }
0x47: {  	_ =	swait.ge [sflag:s9], $0x190  }
0x48: {  	[sflag:s9] =	ssyncset.done $0x0  }
0x49: {  	s4 =	simm.s32 $0xF700;
	[sflag:s9] =	ssyncadd.s32 $0xFFFFFE70  }
0x4a: {  	s13 =	simm.s32 $0x12900;
	v4 =	vld [tilespmem:s4+$0x0]  }
0x4b: {  	v5 =	vld [tilespmem:s13+$0x0]  }
0x4c: {  	v6 =	vld [tilespmem:s4+$0x10]  }
0x4d: {  	v7 =	vld [tilespmem:s13+$0x10]  }
0x4e: {  	v8 =	vld [tilespmem:s13+$0xFFFFFFE0]  }
0x4f: {  	v11 =	vld [tilespmem:s4+$0xFFFFFFE0]  }
0x50: {  	v9 =	vld [tilespmem:s4+$0xFFFFFFF0]  }
0x51: {  	v10 =	vld [tilespmem:s13+$0xFFFFFFF0];
	s4 =	simm.s32 $0xF740  }
0x52: {  	s13 =	simm.s32 $0x12940;
	v14 =	vld [tilespmem:s4+$0x10]  }
0x53: {  	v15 =	vld [tilespmem:s13+$0x10];
	v4 =	vsub.bf16 v4, v5;
	v5 =	vsub.bf16 v6, v7  }
0x54: {  	v16 =	vld [tilespmem:s4+$0xFFFFFFE0];
	v8 =	vsub.bf16 v11, v8  }
0x55: {  	v6 =	vld [tilespmem:s4+$0x0];
	v12 =	vunpack.i.u.bf16.f32 v4;
	v4 =	vunpack.i.l.bf16.f32 v4;
	v13 =	vunpack.i.u.bf16.f32 v5  }
0x56: {  	v7 =	vld [tilespmem:s13+$0x0];
	v5 =	vunpack.i.l.bf16.f32 v5;
	v4 =	vmul.f32 v4, v4;
	v12 =	vmul.f32 v12, v12  }
0x57: {  	v9 =	vsub.bf16 v9, v10;
	v10 =	vld [tilespmem:s13+$0xFFFFFFE0];
	v5 =	vmul.f32 v5, v5;
	v13 =	vmul.f32 v13, v13;
	_ =	sdelay $0x1  }
0x58: {  	s1 =	simm.s32 $0xF780;
	v4 =	vadd.f32 v4, v12;
	v5 =	vadd.f32 v5, v13;
	v12 =	vunpack.i.u.bf16.f32 v8  }
0x59: {  	v18 =	vld [tilespmem:s1+$0x10];
	v8 =	vunpack.i.l.bf16.f32 v8;
	v13 =	vunpack.i.u.bf16.f32 v9;
	v9 =	vunpack.i.l.bf16.f32 v9  }
0x5a: {  	v11 =	vld [tilespmem:s4+$0xFFFFFFF0];
	v6 =	vsub.bf16 v6, v7;
	v8 =	vmul.f32 v8, v8;
	v12 =	vmul.f32 v12, v12  }
0x5b: {  	s4 =	simm.s32 $0x12980;
	v7 =	vsub.bf16 v14, v15;
	v14 =	vld [tilespmem:s1+$0x0];
	v10 =	vsub.bf16 v16, v10;
	v9 =	vmul.f32 v9, v9  }
0x5c: {  	v13 =	vmul.f32 v13, v13;
	v4 =	vadd.f32 v5, v4;
	v8 =	vadd.f32 v8, v12;
	v12 =	vld [tilespmem:s4+$0x0]  }
0x5d: {  	v5 =	vld [tilespmem:s13+$0xFFFFFFF0];
	v15 =	vunpack.i.u.bf16.f32 v6;
	v6 =	vunpack.i.l.bf16.f32 v6;
	v17 =	vunpack.i.u.bf16.f32 v7  }
0x5e: {  	v19 =	vld [tilespmem:s4+$0x10];
	v7 =	vunpack.i.l.bf16.f32 v7;
	v6 =	vmul.f32 v6, v6;
	v15 =	vmul.f32 v15, v15;
	(xrf2) =	vadd.scan.msk.f32 $0xffff, v4  }
0x5f: {  	v7 =	vmul.f32 v7, v7;
	v16 =	vmul.f32 v17, v17;
	v9 =	vadd.f32 v9, v13  }
0x60: {  	v4 =	vunpack.i.u.bf16.f32 v10;
	v10 =	vunpack.i.l.bf16.f32 v10;
	v6 =	vadd.f32 v6, v15  }
0x61: {  	v13 =	vld [tilespmem:s1+$0xFFFFFFF0];
	v7 =	vadd.f32 v7, v16;
	v10 =	vmul.f32 v10, v10;
	v12 =	vsub.bf16 v14, v12  }
0x62: {  	v16 =	vld [tilespmem:s1+$0xFFFFFFE0];
	v4 =	vmul.f32 v4, v4;
	v9 =	vadd.f32 v9, v8;
	v5 =	vsub.bf16 v11, v5  }
0x63: {  	v11 =	vld [tilespmem:s4+$0xFFFFFFE0];
	v6 =	vadd.f32 v7, v6;
	v14 =	vsub.bf16 v18, v19;
	v8 =	vunpack.i.u.bf16.f32 v12  }
0x64: {  	s13 =	simm.s32 $0xF7C0;
	v7 =	vld [tilespmem:s4+$0xFFFFFFF0];
	v15 =	vunpack.i.u.bf16.f32 v5;
	v5 =	vunpack.i.l.bf16.f32 v5;
	v8 =	vmul.f32 v8, v8  }
0x65: {  	v17 =	vld [tilespmem:s13+$0x0];
	s1 =	simm.s32 $0x129C0;
	v4 =	vadd.f32 v10, v4;
	(xrf2) =	vadd.scan.msk.f32 $0xffff, v6;
	v5 =	vmul.f32 v5, v5;
	v10 =	vunpack.i.l.bf16.f32 v12  }
0x66: {  	v20 =	vld [tilespmem:s1+$0x10];
	v12 =	vunpack.i.u.bf16.f32 v14;
	v14 =	vunpack.i.l.bf16.f32 v14;
	v10 =	vmul.f32 v10, v10  }
0x67: {  	v18 =	vld [tilespmem:s1+$0x0];
	v15 =	vmul.f32 v15, v15;
	v14 =	vmul.f32 v14, v14  }
0x68: {  	v19 =	vld [tilespmem:s13+$0x10];
	v12 =	vmul.f32 v12, v12;
	v11 =	vsub.bf16 v16, v11;
	v10 =	vadd.f32 v10, v8;
	v8, _, _ =	vpop (xrf2);
	(xrf2) =	vadd.scan.msk.f32 $0xffff, v9  }
0x69: {  	v13 =	vsub.bf16 v13, v7  }
0x6a: {  	v6 =	vld [tilespmem:s13+$0xFFFFFFF0];
	v7 =	vadd.f32 v5, v15;
	v14 =	vadd.f32 v14, v12;
	v16 =	vunpack.i.u.bf16.f32 v11  }
0x6b: {  	v5 =	vld [tilespmem:s1+$0xFFFFFFE0];
	v11 =	vunpack.i.l.bf16.f32 v11;
	v15 =	vunpack.i.u.bf16.f32 v13;
	v21 =	vunpack.i.l.bf16.f32 v13  }
0x6c: {  	s31 =	simm.s32 $0x1C530;
	v12 =	vmul.f32 v11, v11;
	v13 =	vmul.f32 v16, v16;
	v10 =	vadd.f32 v14, v10;
	v11 =	vld [tilespmem:s13+$0xFFFFFFE0]  }
0x6d: {  	s0 =	simm.s32 $0x1C530;
	s4 =	simm.s32 $0x6;
	v16 =	vsub.bf16 v17, v18;
	v14 =	vsub.bf16 v19, v20;
	s13 =	simm.s32 $0xF800;
	v9 =	vmul.f32 v21, v21;
	[tilespmem:s31+$0x0] =	vst v8;
	v8 =	vld [tilespmem:s1+$0xFFFFFFF0]  }
.LBB2_3:
0x6e: {  	v17 =	vld [tilespmem:s13+$0x0];
	s1 =	sadd.s32 $0x40, s1;
	v15 =	vmul.f32 v15, v15;
	(xrf2) =	vadd.scan.msk.f32 $0xffff, v10;
	v7 =	vadd.f32 v7, v4;
	v4 =	vadd.f32 v12, v13  }
0x6f: {  	s31 =	sadd.s32 $0x20, s31;
	v18 =	vld [tilespmem:s1+$0x0];
	v10 =	vunpack.i.u.bf16.f32 v16;
	v12 =	vunpack.i.l.bf16.f32 v16;
	v13 =	vunpack.i.u.bf16.f32 v14;
	v16, _, _ =	vpop (xrf2)  }
0x70: {  	s4 =	sadd.s32 $0x2, s4;
	v14 =	vunpack.i.l.bf16.f32 v14;
	v19 =	vld [tilespmem:s13+$0x10];
	v12 =	vmul.f32 v12, v12;
	v10 =	vmul.f32 v10, v10;
	[tilespmem:s31+$0x0] =	vst v16  }
0x71: {  	p2 =	slt.u32 s4, $0x18E;
	v14 =	vmul.f32 v14, v14;
	v13 =	vmul.f32 v13, v13;
	v20 =	vld [tilespmem:s1+$0x10];
	v11 =	vsub.bf16 v11, v5;
	(xrf2) =	vadd.scan.msk.f32 $0xffff, v7  }
.Ltmp3:
0x72: {  	v16 =	vsub.bf16 v6, v8;
	v7 =	vadd.f32 v9, v15;
	v5 =	vld [tilespmem:s1+$0xFFFFFFE0];
	v8, _, _ =	vpop (xrf2);
	(pc) =	sbr.rel @p2 .LBB2_3-.Ltmp3, $4  }
0x73: {  	v10 =	vadd.f32 v12, v10;
	v14 =	vadd.f32 v14, v13;
	v6 =	vld [tilespmem:s13+$0xFFFFFFF0];
	v9 =	vunpack.i.u.bf16.f32 v11;
	[tilespmem:s0+$0xFFFFFFF0] =	vst v8;
	s0 =	smov.u32 s31  }
0x74: {  	v15 =	vunpack.i.u.bf16.f32 v16;
	v21 =	vunpack.i.l.bf16.f32 v16;
	v12 =	vunpack.i.l.bf16.f32 v11;
	v8 =	vld [tilespmem:s1+$0xFFFFFFF0]  }
0x75: {  	v12 =	vmul.f32 v12, v12;
	v13 =	vmul.f32 v9, v9;
	v10 =	vadd.f32 v14, v10;
	v11 =	vld [tilespmem:s13+$0xFFFFFFE0]  }
0x76: {  	v16 =	vsub.bf16 v17, v18;
	v9 =	vmul.f32 v21, v21;
	s13 =	sadd.s32 $0x40, s13;
	v14 =	vsub.bf16 v19, v20  }
0x77: {  	_ = 	snop  }
0x78: {  	v15 =	vmul.f32 v15, v15;
	v60 =	vunpack.i.l.bf16.f32 v16  }
0x79: {  	v17 =	vunpack.i.u.bf16.f32 v16;
	v61 =	vunpack.i.l.bf16.f32 v14;
	v16 =	vmul.f32 v60, v60  }
0x7a: {  	v17 =	vmul.f32 v17, v17;
	v5 =	vsub.bf16 v11, v5;
	v11 =	vunpack.i.u.bf16.f32 v14  }
0x7b: {  	v6 =	vsub.bf16 v6, v8;
	v8 =	vmul.f32 v61, v61;
	v11 =	vmul.f32 v11, v11  }
0x7c: {  	v12 =	vadd.f32 v12, v13;
	v63 =	vadd.f32 v16, v17;
	v62 =	vunpack.i.u.bf16.f32 v5  }
0x7d: {  	v5 =	vunpack.i.l.bf16.f32 v5;
	v8 =	vadd.f32 v8, v11;
	v11 =	vunpack.i.u.bf16.f32 v6  }
0x7e: {  	v6 =	vunpack.i.l.bf16.f32 v6;
	v5 =	vmul.f32 v5, v5;
	v13 =	vmul.f32 v62, v62  }
0x7f: {  	v4 =	vadd.f32 v7, v4;
	v6 =	vmul.f32 v6, v6;
	v7 =	vmul.f32 v11, v11  }
0x80: {  	(xrf2) =	vadd.scan.msk.f32 $0xffff, v10;
	v9 =	vadd.f32 v9, v15;
	v8 =	vadd.f32 v8, v63  }
0x81: {  	v5 =	vadd.f32 v5, v13;
	v6 =	vadd.f32 v6, v7  }
0x82: {  	(xrf2) =	vadd.scan.msk.f32 $0xffff, v4;
	v4 =	vadd.f32 v9, v12  }
0x83: {  	(xrf2) =	vadd.scan.msk.f32 $0xffff, v8;
	v5 =	vadd.f32 v6, v5  }
0x84: {  	(xrf2) =	vadd.scan.msk.f32 $0xffff, v4  }
0x85: {  	(xrf2) =	vadd.scan.msk.f32 $0xffff, v5;
	_ =	sdelay $0x2  }
0x86: {  	s1 =	sadd.s32 $0x20, s31;
	v4, _, _ =	vpop (xrf2)  }
0x87: {  	s31 =	simm.s32 $0x0;
	[tilespmem:s1+$0x0] =	vst v4;
	v5, _, _ =	vpop (xrf2)  }
0x88: {  	s4 =	sadd.s32 $0x20, s1;
	v4 =	vor.u32 s31, v0;
	[tilespmem:s0+$0xFFFFFFF0] =	vst v5;
	v5, _, _ =	vpop (xrf2)  }
0x89: {  	[tilespmem:s4+$0x0] =	vst v5;
	v5 =	vshll.u32 v4, $0x4  }
0x8a: {  	v6, _, _ =	vpop (xrf2);
	v5 =	vor.u32 $0xF, v5  }
0x8b: {  	s13 =	sadd.s32 $0x20, s4;
	v7 =	vand.u32 v2, v4;
	[tilespmem:s1+$0xFFFFFFF0] =	vst v6;
	v6, _, _ =	vpop (xrf2)  }
0x8c: {  	s31 =	simm.s32 $0x10;
	[tilespmem:s13+$0x0] =	vst v6;
	v6, _, _ =	vpop (xrf2)  }
0x8d: {  	v8 =	vor.u32 s31, v0;
	[tilespmem:s4+$0xFFFFFFF0] =	vst v6;
	v4, _, _ =	vpop (xrf2)  }
0x8e: {  	v9 =	vshll.u32 v8, $0x4;
	[tilespmem:s13+$0xFFFFFFF0] =	vst v4  }
0x8f: {  	v9 =	vor.u32 $0xF, v9;
	v5 =	vld.idx.msk [tilespmem:v5+s25+$0x0], $0xffff  }
0x90: {  	v8 =	vand.u32 v2, v8;
	v6 =	vld.idx.msk [tilespmem:v7+s19+$0x0], $0xffff  }
0x91: {  	v7 =	vld.idx.msk [tilespmem:v7+s20+$0x0], $0xffff  }
0x92: {  	s0 =	simm.s32 $0x20;
	v4 =	vld [tilespmem:$0x1DE30]  }
.LBB2_5:
0x93: {  	v10 =	vor.u32 s0, v0;
	p2 =	sne.s32 s0, $0x180;
	s0 =	sadd.s32 $0x10, s0  }
.Ltmp4:
0x94: {  	v12 =	vsub.f32 v3, v5;
	v13 =	vmov v5;
	v14 =	vshll.u32 v10, $0x4;
	v5 =	vld.idx.msk [tilespmem:v9+s25+$0x0], $0xffff;
	(pc) =	sbr.rel @p2 .LBB2_5-.Ltmp4, $4  }
0x95: {  	v11 =	vmov v6;
	v9 =	vor.u32 $0xF, v14;
	v6 =	vld.idx.msk [tilespmem:v8+s19+$0x0], $0xffff  }
0x96: {  	v12 =	vmax.f32 v12, $0.0e+00;
	vm0 =	veq.s32 v11, v7;
	v7 =	vld.idx.msk [tilespmem:v8+s20+$0x0], $0xffff;
	v8 =	vand.u32 v2, v10  }
0x97: {  	v10 =	vsel vm0, v13, v12  }
0x98: {  	v4 =	vadd.f32 v10, v4  }
0x99: {  	_ =	sdelay $0x3  }
0x9a: {  	v9 =	vld.idx.msk [tilespmem:v9+s25+$0x0], $0xffff  }
0x9b: {  	v10 =	vld.idx.msk [tilespmem:v8+s19+$0x0], $0xffff  }
0x9c: {  	v8 =	vld.idx.msk [tilespmem:v8+s20+$0x0], $0xffff  }
0x9d: {  	v11 =	vsub.f32 v3, v5;
	_ =	sdelay $0x1  }
0x9e: {  	v11 =	vmax.f32 v11, $0.0e+00;
	vm0 =	veq.s32 v6, v7;
	v6 =	vsub.f32 v3, v9  }
0x9f: {  	v5 =	vsel vm0, v5, v11  }
0xa0: {  	s0 =	sshll.u32 s30, $0x1;
	v4 =	vadd.f32 v5, v4;
	vm15 =	veq.s32 v10, v8;
	v5 =	vmax.f32 v6, $0.0e+00  }
0xa1: {  	s0 =	sadd.s32 $0x2, s0;
	v5 =	vsel vm15, v9, v5  }
0xa2: {  	p2 =	sge.s32 s0, s6;
	v4 =	vadd.f32 v5, v4  }
0xa3: {  	s0 =	smul.u32 @!p2 $0x190, s0  }
0xa4: {  	s1 =	simm.s32 @!p2 $0x190;
	s4 =	simm.s32 @!p2 $0xF6E0;
	[tilespmem:$0x1DE30] =	vst v4  }
0xa5: {  	[tilespmem:s4], [sflag:$0x1] =	stream.indirect.gather @!p2 [hbm4b:s2+s1], $0x20, s0, s1, $0xb8;
	[tilespmem:$0x1DE40] =	vst v63  }
0xa6: {  	s13 =	simm.s32 @!p2 $0x128E0;
	s4 =	sadd.s32 @!p2 $0x7B70, s0  }
0xa7: {  	[tilespmem:s13], [sflag:$0x1] =	stream.indirect.gather @!p2 [hbm4b:s2+s1], $0x20, s4, s1, $0xb8;
	[tilespmem:$0x1DE40] =	vst v63  }
0xa8: {  	s13 =	simm.s32 @!p2 $0x1BEE0  }
0xa9: {  	[tilespmem:s13], [sflag:$0x1] =	stream.indirect.gather @!p2 [hbm4b:s3+s1], $0x1, s0, s1, $0xb8;
	[tilespmem:$0x1DE40] =	vst v63  }
0xaa: {  	s0 =	simm.s32 @!p2 $0x1C070  }
0xab: {  	[tilespmem:s0], [sflag:$0x1] =	stream.indirect.gather @!p2 [hbm4b:s3+s1], $0x1, s4, s1, $0xb8;
	[tilespmem:$0x1DE40] =	vst v63  }
0xac: {  	_ =	swait.ge [sflag:s26], $0x3200  }
0xad: {  	[sflag:s26] =	ssyncset.done $0x0  }
0xae: {  	[sflag:s26] =	ssyncadd.s32 $0xFFFFCE00  }
0xaf: {  	_ =	swait.ge [sflag:s26], $0x3200  }
0xb0: {  	[sflag:s26] =	ssyncset.done $0x0  }
0xb1: {  	[sflag:s26] =	ssyncadd.s32 $0xFFFFCE00  }
0xb2: {  	_ =	swait.ge [sflag:s26], $0x190  }
0xb3: {  	[sflag:s26] =	ssyncset.done $0x0  }
0xb4: {  	[sflag:s26] =	ssyncadd.s32 $0xFFFFFE70  }
0xb5: {  	_ =	swait.ge [sflag:s26], $0x190  }
0xb6: {  	[sflag:s26] =	ssyncset.done $0x0  }
0xb7: {  	s4 =	simm.s32 $0x15B00;
	[sflag:s26] =	ssyncadd.s32 $0xFFFFFE70  }
0xb8: {  	s13 =	simm.s32 $0x18D00;
	v4 =	vld [tilespmem:s4+$0x0]  }
0xb9: {  	v5 =	vld [tilespmem:s13+$0x0]  }
0xba: {  	v6 =	vld [tilespmem:s4+$0x10]  }
0xbb: {  	v7 =	vld [tilespmem:s13+$0x10]  }
0xbc: {  	v8 =	vld [tilespmem:s13+$0xFFFFFFE0]  }
0xbd: {  	v11 =	vld [tilespmem:s4+$0xFFFFFFE0]  }
0xbe: {  	v9 =	vld [tilespmem:s4+$0xFFFFFFF0]  }
0xbf: {  	v10 =	vld [tilespmem:s13+$0xFFFFFFF0];
	s4 =	simm.s32 $0x15B40  }
0xc0: {  	s13 =	simm.s32 $0x18D40;
	v14 =	vld [tilespmem:s4+$0x10]  }
0xc1: {  	v15 =	vld [tilespmem:s13+$0x10];
	v4 =	vsub.bf16 v4, v5;
	v5 =	vsub.bf16 v6, v7  }
0xc2: {  	v16 =	vld [tilespmem:s4+$0xFFFFFFE0];
	v8 =	vsub.bf16 v11, v8  }
0xc3: {  	v6 =	vld [tilespmem:s4+$0x0];
	v12 =	vunpack.i.u.bf16.f32 v4;
	v4 =	vunpack.i.l.bf16.f32 v4;
	v13 =	vunpack.i.u.bf16.f32 v5  }
0xc4: {  	v7 =	vld [tilespmem:s13+$0x0];
	v5 =	vunpack.i.l.bf16.f32 v5;
	v4 =	vmul.f32 v4, v4;
	v12 =	vmul.f32 v12, v12  }
0xc5: {  	v9 =	vsub.bf16 v9, v10;
	v10 =	vld [tilespmem:s13+$0xFFFFFFE0];
	v5 =	vmul.f32 v5, v5;
	v13 =	vmul.f32 v13, v13;
	_ =	sdelay $0x1  }
0xc6: {  	s1 =	simm.s32 $0x15B80;
	v4 =	vadd.f32 v4, v12;
	v5 =	vadd.f32 v5, v13;
	v12 =	vunpack.i.u.bf16.f32 v8  }
0xc7: {  	v18 =	vld [tilespmem:s1+$0x10];
	v8 =	vunpack.i.l.bf16.f32 v8;
	v13 =	vunpack.i.u.bf16.f32 v9;
	v9 =	vunpack.i.l.bf16.f32 v9  }
0xc8: {  	v11 =	vld [tilespmem:s4+$0xFFFFFFF0];
	v6 =	vsub.bf16 v6, v7;
	v8 =	vmul.f32 v8, v8;
	v12 =	vmul.f32 v12, v12  }
0xc9: {  	s4 =	simm.s32 $0x18D80;
	v7 =	vsub.bf16 v14, v15;
	v14 =	vld [tilespmem:s1+$0x0];
	v10 =	vsub.bf16 v16, v10;
	v9 =	vmul.f32 v9, v9  }
0xca: {  	v13 =	vmul.f32 v13, v13;
	v4 =	vadd.f32 v5, v4;
	v8 =	vadd.f32 v8, v12;
	v12 =	vld [tilespmem:s4+$0x0]  }
0xcb: {  	v5 =	vld [tilespmem:s13+$0xFFFFFFF0];
	v15 =	vunpack.i.u.bf16.f32 v6;
	v6 =	vunpack.i.l.bf16.f32 v6;
	v17 =	vunpack.i.u.bf16.f32 v7  }
0xcc: {  	v19 =	vld [tilespmem:s4+$0x10];
	v7 =	vunpack.i.l.bf16.f32 v7;
	v6 =	vmul.f32 v6, v6;
	v15 =	vmul.f32 v15, v15;
	(xrf2) =	vadd.scan.msk.f32 $0xffff, v4  }
0xcd: {  	v7 =	vmul.f32 v7, v7;
	v16 =	vmul.f32 v17, v17;
	v9 =	vadd.f32 v9, v13  }
0xce: {  	v4 =	vunpack.i.u.bf16.f32 v10;
	v10 =	vunpack.i.l.bf16.f32 v10;
	v6 =	vadd.f32 v6, v15  }
0xcf: {  	v13 =	vld [tilespmem:s1+$0xFFFFFFF0];
	v7 =	vadd.f32 v7, v16;
	v10 =	vmul.f32 v10, v10;
	v12 =	vsub.bf16 v14, v12  }
0xd0: {  	v16 =	vld [tilespmem:s1+$0xFFFFFFE0];
	v4 =	vmul.f32 v4, v4;
	v9 =	vadd.f32 v9, v8;
	v5 =	vsub.bf16 v11, v5  }
0xd1: {  	v11 =	vld [tilespmem:s4+$0xFFFFFFE0];
	v6 =	vadd.f32 v7, v6;
	v14 =	vsub.bf16 v18, v19;
	v8 =	vunpack.i.u.bf16.f32 v12  }
0xd2: {  	s13 =	simm.s32 $0x15BC0;
	v7 =	vld [tilespmem:s4+$0xFFFFFFF0];
	v15 =	vunpack.i.u.bf16.f32 v5;
	v5 =	vunpack.i.l.bf16.f32 v5;
	v8 =	vmul.f32 v8, v8  }
0xd3: {  	v17 =	vld [tilespmem:s13+$0x0];
	s1 =	simm.s32 $0x18DC0;
	v4 =	vadd.f32 v10, v4;
	(xrf2) =	vadd.scan.msk.f32 $0xffff, v6;
	v5 =	vmul.f32 v5, v5;
	v10 =	vunpack.i.l.bf16.f32 v12  }
0xd4: {  	v20 =	vld [tilespmem:s1+$0x10];
	v12 =	vunpack.i.u.bf16.f32 v14;
	v14 =	vunpack.i.l.bf16.f32 v14;
	v10 =	vmul.f32 v10, v10  }
0xd5: {  	v18 =	vld [tilespmem:s1+$0x0];
	v15 =	vmul.f32 v15, v15;
	v14 =	vmul.f32 v14, v14  }
0xd6: {  	v19 =	vld [tilespmem:s13+$0x10];
	v12 =	vmul.f32 v12, v12;
	v11 =	vsub.bf16 v16, v11;
	v10 =	vadd.f32 v10, v8;
	v8, _, _ =	vpop (xrf2);
	(xrf2) =	vadd.scan.msk.f32 $0xffff, v9  }
0xd7: {  	v13 =	vsub.bf16 v13, v7  }
0xd8: {  	v6 =	vld [tilespmem:s13+$0xFFFFFFF0];
	v7 =	vadd.f32 v5, v15;
	v14 =	vadd.f32 v14, v12;
	v16 =	vunpack.i.u.bf16.f32 v11  }
0xd9: {  	v5 =	vld [tilespmem:s1+$0xFFFFFFE0];
	v11 =	vunpack.i.l.bf16.f32 v11;
	v15 =	vunpack.i.u.bf16.f32 v13;
	v21 =	vunpack.i.l.bf16.f32 v13  }
0xda: {  	s31 =	simm.s32 $0x1C530;
	v12 =	vmul.f32 v11, v11;
	v13 =	vmul.f32 v16, v16;
	v10 =	vadd.f32 v14, v10;
	v11 =	vld [tilespmem:s13+$0xFFFFFFE0]  }
0xdb: {  	s0 =	simm.s32 $0x1C530;
	s4 =	simm.s32 $0x6;
	v16 =	vsub.bf16 v17, v18;
	v14 =	vsub.bf16 v19, v20;
	s13 =	simm.s32 $0x15C00;
	v9 =	vmul.f32 v21, v21;
	[tilespmem:s31+$0x0] =	vst v8;
	v8 =	vld [tilespmem:s1+$0xFFFFFFF0]  }
.LBB2_7:
0xdc: {  	v17 =	vld [tilespmem:s13+$0x0];
	s1 =	sadd.s32 $0x40, s1;
	v15 =	vmul.f32 v15, v15;
	(xrf2) =	vadd.scan.msk.f32 $0xffff, v10;
	v7 =	vadd.f32 v7, v4;
	v4 =	vadd.f32 v12, v13  }
0xdd: {  	s31 =	sadd.s32 $0x20, s31;
	v18 =	vld [tilespmem:s1+$0x0];
	v10 =	vunpack.i.u.bf16.f32 v16;
	v12 =	vunpack.i.l.bf16.f32 v16;
	v13 =	vunpack.i.u.bf16.f32 v14;
	v16, _, _ =	vpop (xrf2)  }
0xde: {  	s4 =	sadd.s32 $0x2, s4;
	v14 =	vunpack.i.l.bf16.f32 v14;
	v19 =	vld [tilespmem:s13+$0x10];
	v12 =	vmul.f32 v12, v12;
	v10 =	vmul.f32 v10, v10;
	[tilespmem:s31+$0x0] =	vst v16  }
0xdf: {  	p2 =	slt.u32 s4, $0x18E;
	v14 =	vmul.f32 v14, v14;
	v13 =	vmul.f32 v13, v13;
	v20 =	vld [tilespmem:s1+$0x10];
	v11 =	vsub.bf16 v11, v5;
	(xrf2) =	vadd.scan.msk.f32 $0xffff, v7  }
.Ltmp5:
0xe0: {  	v16 =	vsub.bf16 v6, v8;
	v7 =	vadd.f32 v9, v15;
	v5 =	vld [tilespmem:s1+$0xFFFFFFE0];
	v8, _, _ =	vpop (xrf2);
	(pc) =	sbr.rel @p2 .LBB2_7-.Ltmp5, $4  }
0xe1: {  	v10 =	vadd.f32 v12, v10;
	v14 =	vadd.f32 v14, v13;
	v6 =	vld [tilespmem:s13+$0xFFFFFFF0];
	v9 =	vunpack.i.u.bf16.f32 v11;
	[tilespmem:s0+$0xFFFFFFF0] =	vst v8;
	s0 =	smov.u32 s31  }
0xe2: {  	v15 =	vunpack.i.u.bf16.f32 v16;
	v21 =	vunpack.i.l.bf16.f32 v16;
	v12 =	vunpack.i.l.bf16.f32 v11;
	v8 =	vld [tilespmem:s1+$0xFFFFFFF0]  }
0xe3: {  	v12 =	vmul.f32 v12, v12;
	v13 =	vmul.f32 v9, v9;
	v10 =	vadd.f32 v14, v10;
	v11 =	vld [tilespmem:s13+$0xFFFFFFE0]  }
0xe4: {  	v16 =	vsub.bf16 v17, v18;
	v9 =	vmul.f32 v21, v21;
	s13 =	sadd.s32 $0x40, s13;
	v14 =	vsub.bf16 v19, v20  }
0xe5: {  	_ = 	snop  }
0xe6: {  	v15 =	vmul.f32 v15, v15;
	v60 =	vunpack.i.l.bf16.f32 v16  }
0xe7: {  	v17 =	vunpack.i.u.bf16.f32 v16;
	v61 =	vunpack.i.l.bf16.f32 v14;
	v16 =	vmul.f32 v60, v60  }
0xe8: {  	v17 =	vmul.f32 v17, v17;
	v5 =	vsub.bf16 v11, v5;
	v11 =	vunpack.i.u.bf16.f32 v14  }
0xe9: {  	v6 =	vsub.bf16 v6, v8;
	v8 =	vmul.f32 v61, v61;
	v11 =	vmul.f32 v11, v11  }
0xea: {  	v12 =	vadd.f32 v12, v13;
	v63 =	vadd.f32 v16, v17;
	v62 =	vunpack.i.u.bf16.f32 v5  }
0xeb: {  	v5 =	vunpack.i.l.bf16.f32 v5;
	v8 =	vadd.f32 v8, v11;
	v11 =	vunpack.i.u.bf16.f32 v6  }
0xec: {  	v6 =	vunpack.i.l.bf16.f32 v6;
	v5 =	vmul.f32 v5, v5;
	v13 =	vmul.f32 v62, v62  }
0xed: {  	v4 =	vadd.f32 v7, v4;
	v6 =	vmul.f32 v6, v6;
	v7 =	vmul.f32 v11, v11  }
0xee: {  	(xrf2) =	vadd.scan.msk.f32 $0xffff, v10;
	v9 =	vadd.f32 v9, v15;
	v8 =	vadd.f32 v8, v63  }
0xef: {  	v5 =	vadd.f32 v5, v13;
	v6 =	vadd.f32 v6, v7  }
0xf0: {  	(xrf2) =	vadd.scan.msk.f32 $0xffff, v4;
	v4 =	vadd.f32 v9, v12  }
0xf1: {  	(xrf2) =	vadd.scan.msk.f32 $0xffff, v8;
	v5 =	vadd.f32 v6, v5  }
0xf2: {  	(xrf2) =	vadd.scan.msk.f32 $0xffff, v4  }
0xf3: {  	(xrf2) =	vadd.scan.msk.f32 $0xffff, v5;
	_ =	sdelay $0x2  }
0xf4: {  	s1 =	sadd.s32 $0x20, s31;
	v4, _, _ =	vpop (xrf2)  }
0xf5: {  	s31 =	simm.s32 $0x0;
	[tilespmem:s1+$0x0] =	vst v4;
	v5, _, _ =	vpop (xrf2)  }
0xf6: {  	s4 =	sadd.s32 $0x20, s1;
	v4 =	vor.u32 s31, v0;
	[tilespmem:s0+$0xFFFFFFF0] =	vst v5;
	v5, _, _ =	vpop (xrf2)  }
0xf7: {  	[tilespmem:s4+$0x0] =	vst v5;
	v5 =	vshll.u32 v4, $0x4  }
0xf8: {  	v6, _, _ =	vpop (xrf2);
	v5 =	vor.u32 $0xF, v5  }
0xf9: {  	s13 =	sadd.s32 $0x20, s4;
	v7 =	vand.u32 v2, v4;
	[tilespmem:s1+$0xFFFFFFF0] =	vst v6;
	v6, _, _ =	vpop (xrf2)  }
0xfa: {  	s31 =	simm.s32 $0x10;
	[tilespmem:s13+$0x0] =	vst v6;
	v6, _, _ =	vpop (xrf2)  }
0xfb: {  	v8 =	vor.u32 s31, v0;
	[tilespmem:s4+$0xFFFFFFF0] =	vst v6;
	v4, _, _ =	vpop (xrf2)  }
0xfc: {  	v9 =	vshll.u32 v8, $0x4;
	[tilespmem:s13+$0xFFFFFFF0] =	vst v4  }
0xfd: {  	v9 =	vor.u32 $0xF, v9;
	v5 =	vld.idx.msk [tilespmem:v5+s25+$0x0], $0xffff  }
0xfe: {  	v8 =	vand.u32 v2, v8;
	v6 =	vld.idx.msk [tilespmem:v7+s23+$0x0], $0xffff  }
0xff: {  	v7 =	vld.idx.msk [tilespmem:v7+s24+$0x0], $0xffff  }
0x100: {  	s0 =	simm.s32 $0x20;
	v4 =	vld [tilespmem:$0x1DE30]  }
.LBB2_9:
0x101: {  	v10 =	vor.u32 s0, v0;
	p2 =	sne.s32 s0, $0x180;
	s0 =	sadd.s32 $0x10, s0  }
.Ltmp6:
0x102: {  	v12 =	vsub.f32 v3, v5;
	v13 =	vmov v5;
	v14 =	vshll.u32 v10, $0x4;
	v5 =	vld.idx.msk [tilespmem:v9+s25+$0x0], $0xffff;
	(pc) =	sbr.rel @p2 .LBB2_9-.Ltmp6, $4  }
0x103: {  	v11 =	vmov v6;
	v9 =	vor.u32 $0xF, v14;
	v6 =	vld.idx.msk [tilespmem:v8+s23+$0x0], $0xffff  }
0x104: {  	v12 =	vmax.f32 v12, $0.0e+00;
	vm0 =	veq.s32 v11, v7;
	v7 =	vld.idx.msk [tilespmem:v8+s24+$0x0], $0xffff;
	v8 =	vand.u32 v2, v10  }
0x105: {  	v10 =	vsel vm0, v13, v12  }
0x106: {  	v4 =	vadd.f32 v10, v4  }
0x107: {  	_ =	sdelay $0x3  }
0x108: {  	v9 =	vld.idx.msk [tilespmem:v9+s25+$0x0], $0xffff  }
0x109: {  	v10 =	vld.idx.msk [tilespmem:v8+s23+$0x0], $0xffff  }
0x10a: {  	v62 =	vld.idx.msk [tilespmem:v8+s24+$0x0], $0xffff  }
0x10b: {  	v11 =	vsub.f32 v3, v5;
	_ =	sdelay $0x1  }
0x10c: {  	s30 =	sadd.s32 $0x1, s30;
	v11 =	vmax.f32 v11, $0.0e+00;
	vm0 =	veq.s32 v6, v7;
	v63 =	vsub.f32 v3, v9  }
0x10d: {  	p2 =	sne.s32 s30, s10;
	v5 =	vsel vm0, v5, v11  }
.Ltmp7:
0x10e: {  	v4 =	vadd.f32 v5, v4;
	vm15 =	veq.s32 v10, v62;
	v5 =	vmax.f32 v63, $0.0e+00;
	(pc) =	sbr.rel @p2 .LBB2_2-.Ltmp7, $3  }
0x10f: {  	v5 =	vsel vm15, v9, v5  }
0x110: {  	v4 =	vadd.f32 v5, v4;
	_ =	sdelay $0x1  }
0x111: {  	[tilespmem:$0x1DE30] =	vst v4  }
.LBB2_11:
.Ltmp8:
0x112: {  	(pc) =	sbr.rel @p1 .LBB2_17-.Ltmp8, $1  }
0x113: {  	_ =	sdelay $0x3  }
0x114: {  	_ =	swait.ge [sflag:s9], $0x3200  }
0x115: {  	[sflag:s9] =	ssyncset.done $0x0  }
0x116: {  	[sflag:s9] =	ssyncadd.s32 $0xFFFFCE00  }
0x117: {  	_ =	swait.ge [sflag:s9], $0x3200  }
0x118: {  	[sflag:s9] =	ssyncset.done $0x0  }
0x119: {  	[sflag:s9] =	ssyncadd.s32 $0xFFFFCE00  }
0x11a: {  	_ =	swait.ge [sflag:s9], $0x190  }
0x11b: {  	[sflag:s9] =	ssyncset.done $0x0  }
0x11c: {  	[sflag:s9] =	ssyncadd.s32 $0xFFFFFE70  }
0x11d: {  	_ =	swait.ge [sflag:s9], $0x190  }
0x11e: {  	[sflag:s9] =	ssyncset.done $0x0  }
0x11f: {  	s0 =	simm.s32 $0xF700;
	[sflag:s9] =	ssyncadd.s32 $0xFFFFFE70  }
0x120: {  	s1 =	simm.s32 $0x12900;
	v4 =	vld [tilespmem:s0+$0x0]  }
0x121: {  	v5 =	vld [tilespmem:s1+$0x0]  }
0x122: {  	v6 =	vld [tilespmem:s0+$0x10]  }
0x123: {  	v7 =	vld [tilespmem:s1+$0x10]  }
0x124: {  	v8 =	vld [tilespmem:s1+$0xFFFFFFE0]  }
0x125: {  	v11 =	vld [tilespmem:s0+$0xFFFFFFE0]  }
0x126: {  	v9 =	vld [tilespmem:s0+$0xFFFFFFF0]  }
0x127: {  	s13 =	simm.s32 $0xF740;
	v10 =	vld [tilespmem:s1+$0xFFFFFFF0]  }
0x128: {  	s31 =	simm.s32 $0x12940;
	v14 =	vld [tilespmem:s13+$0x10]  }
0x129: {  	v15 =	vld [tilespmem:s31+$0x10];
	v4 =	vsub.bf16 v4, v5;
	v5 =	vsub.bf16 v6, v7  }
0x12a: {  	v16 =	vld [tilespmem:s13+$0xFFFFFFE0];
	v8 =	vsub.bf16 v11, v8  }
0x12b: {  	v6 =	vld [tilespmem:s13+$0x0];
	v12 =	vunpack.i.u.bf16.f32 v4;
	v4 =	vunpack.i.l.bf16.f32 v4;
	v13 =	vunpack.i.u.bf16.f32 v5  }
0x12c: {  	v7 =	vld [tilespmem:s31+$0x0];
	v5 =	vunpack.i.l.bf16.f32 v5;
	v4 =	vmul.f32 v4, v4;
	v12 =	vmul.f32 v12, v12  }
0x12d: {  	v9 =	vsub.bf16 v9, v10;
	v10 =	vld [tilespmem:s31+$0xFFFFFFE0];
	v5 =	vmul.f32 v5, v5;
	v13 =	vmul.f32 v13, v13;
	_ =	sdelay $0x1  }
0x12e: {  	s4 =	simm.s32 $0xF780;
	v4 =	vadd.f32 v4, v12;
	v5 =	vadd.f32 v5, v13;
	v12 =	vunpack.i.u.bf16.f32 v8  }
0x12f: {  	v18 =	vld [tilespmem:s4+$0x10];
	v8 =	vunpack.i.l.bf16.f32 v8;
	v13 =	vunpack.i.u.bf16.f32 v9;
	v9 =	vunpack.i.l.bf16.f32 v9  }
0x130: {  	v11 =	vld [tilespmem:s13+$0xFFFFFFF0];
	v6 =	vsub.bf16 v6, v7;
	v8 =	vmul.f32 v8, v8;
	v12 =	vmul.f32 v12, v12  }
0x131: {  	s13 =	simm.s32 $0x12980;
	v7 =	vsub.bf16 v14, v15;
	v14 =	vld [tilespmem:s4+$0x0];
	v10 =	vsub.bf16 v16, v10;
	v9 =	vmul.f32 v9, v9  }
0x132: {  	v13 =	vmul.f32 v13, v13;
	v4 =	vadd.f32 v5, v4;
	v8 =	vadd.f32 v8, v12;
	v12 =	vld [tilespmem:s13+$0x0]  }
0x133: {  	v5 =	vld [tilespmem:s31+$0xFFFFFFF0];
	v15 =	vunpack.i.u.bf16.f32 v6;
	v6 =	vunpack.i.l.bf16.f32 v6;
	v17 =	vunpack.i.u.bf16.f32 v7  }
0x134: {  	v19 =	vld [tilespmem:s13+$0x10];
	v7 =	vunpack.i.l.bf16.f32 v7;
	v6 =	vmul.f32 v6, v6;
	v15 =	vmul.f32 v15, v15;
	(xrf2) =	vadd.scan.msk.f32 $0xffff, v4  }
0x135: {  	v7 =	vmul.f32 v7, v7;
	v16 =	vmul.f32 v17, v17;
	v9 =	vadd.f32 v9, v13  }
0x136: {  	v4 =	vunpack.i.u.bf16.f32 v10;
	v10 =	vunpack.i.l.bf16.f32 v10;
	v6 =	vadd.f32 v6, v15  }
0x137: {  	v13 =	vld [tilespmem:s4+$0xFFFFFFF0];
	v7 =	vadd.f32 v7, v16;
	v10 =	vmul.f32 v10, v10;
	v12 =	vsub.bf16 v14, v12  }
0x138: {  	v16 =	vld [tilespmem:s4+$0xFFFFFFE0];
	v4 =	vmul.f32 v4, v4;
	v9 =	vadd.f32 v9, v8;
	v5 =	vsub.bf16 v11, v5  }
0x139: {  	v11 =	vld [tilespmem:s13+$0xFFFFFFE0];
	v6 =	vadd.f32 v7, v6;
	v14 =	vsub.bf16 v18, v19;
	v8 =	vunpack.i.u.bf16.f32 v12  }
0x13a: {  	s1 =	simm.s32 $0x129C0;
	v7 =	vld [tilespmem:s13+$0xFFFFFFF0];
	v15 =	vunpack.i.u.bf16.f32 v5;
	v5 =	vunpack.i.l.bf16.f32 v5;
	v8 =	vmul.f32 v8, v8  }
0x13b: {  	v20 =	vld [tilespmem:s1+$0x10];
	s31 =	simm.s32 $0xF7C0;
	v4 =	vadd.f32 v10, v4;
	(xrf2) =	vadd.scan.msk.f32 $0xffff, v6;
	v5 =	vmul.f32 v5, v5;
	v10 =	vunpack.i.l.bf16.f32 v12  }
0x13c: {  	v17 =	vld [tilespmem:s31+$0x0];
	v12 =	vunpack.i.u.bf16.f32 v14;
	v14 =	vunpack.i.l.bf16.f32 v14;
	v10 =	vmul.f32 v10, v10  }
0x13d: {  	v18 =	vld [tilespmem:s1+$0x0];
	v15 =	vmul.f32 v15, v15;
	v14 =	vmul.f32 v14, v14  }
0x13e: {  	v19 =	vld [tilespmem:s31+$0x10];
	v12 =	vmul.f32 v12, v12;
	v11 =	vsub.bf16 v16, v11;
	v10 =	vadd.f32 v10, v8;
	v8, _, _ =	vpop (xrf2);
	(xrf2) =	vadd.scan.msk.f32 $0xffff, v9  }
0x13f: {  	v13 =	vsub.bf16 v13, v7  }
0x140: {  	v6 =	vld [tilespmem:s31+$0xFFFFFFF0];
	v7 =	vadd.f32 v5, v15;
	v14 =	vadd.f32 v14, v12;
	v16 =	vunpack.i.u.bf16.f32 v11  }
0x141: {  	v5 =	vld [tilespmem:s1+$0xFFFFFFE0];
	v11 =	vunpack.i.l.bf16.f32 v11;
	v15 =	vunpack.i.u.bf16.f32 v13;
	v21 =	vunpack.i.l.bf16.f32 v13  }
0x142: {  	s30 =	simm.s32 $0x1C530;
	v12 =	vmul.f32 v11, v11;
	v13 =	vmul.f32 v16, v16;
	v10 =	vadd.f32 v14, v10;
	v11 =	vld [tilespmem:s31+$0xFFFFFFE0]  }
0x143: {  	s0 =	simm.s32 $0x1C530;
	s4 =	simm.s32 $0x6;
	s13 =	simm.s32 $0xF800;
	v16 =	vsub.bf16 v17, v18;
	v14 =	vsub.bf16 v19, v20;
	v9 =	vmul.f32 v21, v21;
	[tilespmem:s30+$0x0] =	vst v8;
	v8 =	vld [tilespmem:s1+$0xFFFFFFF0]  }
.LBB2_13:
0x144: {  	v17 =	vld [tilespmem:s13+$0x0];
	s1 =	sadd.s32 $0x40, s1;
	v15 =	vmul.f32 v15, v15;
	(xrf2) =	vadd.scan.msk.f32 $0xffff, v10;
	v7 =	vadd.f32 v7, v4;
	v4 =	vadd.f32 v12, v13  }
0x145: {  	s30 =	sadd.s32 $0x20, s30;
	v18 =	vld [tilespmem:s1+$0x0];
	v10 =	vunpack.i.u.bf16.f32 v16;
	v12 =	vunpack.i.l.bf16.f32 v16;
	v13 =	vunpack.i.u.bf16.f32 v14;
	v16, _, _ =	vpop (xrf2)  }
0x146: {  	s4 =	sadd.s32 $0x2, s4;
	v14 =	vunpack.i.l.bf16.f32 v14;
	v19 =	vld [tilespmem:s13+$0x10];
	v12 =	vmul.f32 v12, v12;
	v10 =	vmul.f32 v10, v10;
	[tilespmem:s30+$0x0] =	vst v16  }
0x147: {  	p2 =	slt.u32 s4, $0x18E;
	v14 =	vmul.f32 v14, v14;
	v13 =	vmul.f32 v13, v13;
	v20 =	vld [tilespmem:s1+$0x10];
	v11 =	vsub.bf16 v11, v5;
	(xrf2) =	vadd.scan.msk.f32 $0xffff, v7  }
.Ltmp9:
0x148: {  	v16 =	vsub.bf16 v6, v8;
	v7 =	vadd.f32 v9, v15;
	v5 =	vld [tilespmem:s1+$0xFFFFFFE0];
	v8, _, _ =	vpop (xrf2);
	(pc) =	sbr.rel @p2 .LBB2_13-.Ltmp9, $4  }
0x149: {  	v10 =	vadd.f32 v12, v10;
	v14 =	vadd.f32 v14, v13;
	v6 =	vld [tilespmem:s13+$0xFFFFFFF0];
	v9 =	vunpack.i.u.bf16.f32 v11;
	[tilespmem:s0+$0xFFFFFFF0] =	vst v8;
	s0 =	smov.u32 s30  }
0x14a: {  	v15 =	vunpack.i.u.bf16.f32 v16;
	v21 =	vunpack.i.l.bf16.f32 v16;
	v12 =	vunpack.i.l.bf16.f32 v11;
	v8 =	vld [tilespmem:s1+$0xFFFFFFF0]  }
0x14b: {  	v12 =	vmul.f32 v12, v12;
	v13 =	vmul.f32 v9, v9;
	v10 =	vadd.f32 v14, v10;
	v11 =	vld [tilespmem:s13+$0xFFFFFFE0]  }
0x14c: {  	v16 =	vsub.bf16 v17, v18;
	v9 =	vmul.f32 v21, v21;
	s13 =	sadd.s32 $0x40, s13;
	v14 =	vsub.bf16 v19, v20  }
0x14d: {  	_ = 	snop  }
0x14e: {  	v15 =	vmul.f32 v15, v15;
	v60 =	vunpack.i.l.bf16.f32 v16  }
0x14f: {  	v17 =	vunpack.i.u.bf16.f32 v16;
	v61 =	vunpack.i.l.bf16.f32 v14;
	v16 =	vmul.f32 v60, v60  }
0x150: {  	v17 =	vmul.f32 v17, v17;
	v5 =	vsub.bf16 v11, v5;
	v11 =	vunpack.i.u.bf16.f32 v14  }
0x151: {  	v6 =	vsub.bf16 v6, v8;
	v8 =	vmul.f32 v61, v61;
	v11 =	vmul.f32 v11, v11  }
0x152: {  	v12 =	vadd.f32 v12, v13;
	v63 =	vadd.f32 v16, v17;
	v62 =	vunpack.i.u.bf16.f32 v5  }
0x153: {  	v5 =	vunpack.i.l.bf16.f32 v5;
	v8 =	vadd.f32 v8, v11;
	v11 =	vunpack.i.u.bf16.f32 v6  }
0x154: {  	v6 =	vunpack.i.l.bf16.f32 v6;
	v5 =	vmul.f32 v5, v5;
	v13 =	vmul.f32 v62, v62  }
0x155: {  	v4 =	vadd.f32 v7, v4;
	v6 =	vmul.f32 v6, v6;
	v7 =	vmul.f32 v11, v11  }
0x156: {  	(xrf2) =	vadd.scan.msk.f32 $0xffff, v10;
	v9 =	vadd.f32 v9, v15;
	v8 =	vadd.f32 v8, v63  }
0x157: {  	v5 =	vadd.f32 v5, v13;
	v6 =	vadd.f32 v6, v7  }
0x158: {  	(xrf2) =	vadd.scan.msk.f32 $0xffff, v4;
	v4 =	vadd.f32 v9, v12  }
0x159: {  	(xrf2) =	vadd.scan.msk.f32 $0xffff, v8;
	v5 =	vadd.f32 v6, v5  }
0x15a: {  	(xrf2) =	vadd.scan.msk.f32 $0xffff, v4  }
0x15b: {  	(xrf2) =	vadd.scan.msk.f32 $0xffff, v5;
	_ =	sdelay $0x2  }
0x15c: {  	s1 =	sadd.s32 $0x20, s30;
	v4, _, _ =	vpop (xrf2)  }
0x15d: {  	s4 =	simm.s32 $0x0;
	[tilespmem:s1+$0x0] =	vst v4;
	v5, _, _ =	vpop (xrf2)  }
0x15e: {  	s13 =	sadd.s32 $0x20, s1;
	v4 =	vor.u32 s4, v0;
	[tilespmem:s0+$0xFFFFFFF0] =	vst v5;
	v5, _, _ =	vpop (xrf2)  }
0x15f: {  	[tilespmem:s13+$0x0] =	vst v5;
	v5 =	vshll.u32 v4, $0x4  }
0x160: {  	v6, _, _ =	vpop (xrf2);
	v5 =	vor.u32 $0xF, v5  }
0x161: {  	s30 =	sadd.s32 $0x20, s13;
	v7 =	vand.u32 v2, v4;
	[tilespmem:s1+$0xFFFFFFF0] =	vst v6;
	v6, _, _ =	vpop (xrf2)  }
0x162: {  	s31 =	simm.s32 $0x10;
	[tilespmem:s30+$0x0] =	vst v6;
	v6, _, _ =	vpop (xrf2)  }
0x163: {  	v8 =	vor.u32 s31, v0;
	[tilespmem:s13+$0xFFFFFFF0] =	vst v6;
	v4, _, _ =	vpop (xrf2)  }
0x164: {  	v9 =	vshll.u32 v8, $0x4;
	[tilespmem:s30+$0xFFFFFFF0] =	vst v4  }
0x165: {  	v9 =	vor.u32 $0xF, v9;
	v5 =	vld.idx.msk [tilespmem:v5+s25+$0x0], $0xffff  }
0x166: {  	v8 =	vand.u32 v2, v8;
	v6 =	vld.idx.msk [tilespmem:v7+s19+$0x0], $0xffff  }
0x167: {  	v7 =	vld.idx.msk [tilespmem:v7+s20+$0x0], $0xffff  }
0x168: {  	s0 =	simm.s32 $0x20;
	v4 =	vld [tilespmem:$0x1DE30]  }
.LBB2_15:
0x169: {  	v10 =	vor.u32 s0, v0;
	p2 =	sne.s32 s0, $0x180;
	s0 =	sadd.s32 $0x10, s0  }
.Ltmp10:
0x16a: {  	v12 =	vsub.f32 v3, v5;
	v13 =	vmov v5;
	v14 =	vshll.u32 v10, $0x4;
	v5 =	vld.idx.msk [tilespmem:v9+s25+$0x0], $0xffff;
	(pc) =	sbr.rel @p2 .LBB2_15-.Ltmp10, $4  }
0x16b: {  	v11 =	vmov v6;
	v9 =	vor.u32 $0xF, v14;
	v6 =	vld.idx.msk [tilespmem:v8+s19+$0x0], $0xffff  }
0x16c: {  	v12 =	vmax.f32 v12, $0.0e+00;
	vm0 =	veq.s32 v11, v7;
	v7 =	vld.idx.msk [tilespmem:v8+s20+$0x0], $0xffff;
	v8 =	vand.u32 v2, v10  }
0x16d: {  	v10 =	vsel vm0, v13, v12  }
0x16e: {  	v4 =	vadd.f32 v10, v4  }
0x16f: {  	_ =	sdelay $0x3  }
0x170: {  	v9 =	vld.idx.msk [tilespmem:v9+s25+$0x0], $0xffff  }
0x171: {  	v10 =	vld.idx.msk [tilespmem:v8+s19+$0x0], $0xffff  }
0x172: {  	v62 =	vld.idx.msk [tilespmem:v8+s20+$0x0], $0xffff  }
0x173: {  	v11 =	vsub.f32 v3, v5;
	_ =	sdelay $0x1  }
0x174: {  	v11 =	vmax.f32 v11, $0.0e+00;
	vm0 =	veq.s32 v6, v7;
	v3 =	vsub.f32 v3, v9  }
0x175: {  	v63 =	vsel vm0, v5, v11  }
.Ltmp11:
0x176: {  	v4 =	vadd.f32 v63, v4;
	vm15 =	veq.s32 v10, v62;
	v3 =	vmax.f32 v3, $0.0e+00;
	(pc) =	sbr.rel .LBB2_17-.Ltmp11, $3  }
0x177: {  	v3 =	vsel vm15, v9, v3  }
0x178: {  	v3 =	vadd.f32 v3, v4;
	_ =	sdelay $0x1  }
0x179: {  	[tilespmem:$0x1DE30] =	vst v3  }
.LBB2_18:
0x17a: {  	_ =	sfence.sel $0x180000  }
0x17b: {  	[bflag:$0x0] =	sbarrier.arrive $0xFFFF  }
0x17c: {  	_ =	strace $0x90000047  }
0x17d: {  	s0 =	stileid.u32;
	[bflag:$0x2] =	sbarrier.arrive $0xFFFF  }
0x17e: {  	p0 =	sne.s32 s0, $0x0;
	s0 =	rddreg [dreg:$0x3]  }
0x17f: {  	s0 =	sadd.s32 @!p0 $0x100000, s0  }
0x180: {  	[sflag:s0] =	ssyncadd.tile.s32 @!p0 $0x1;
	_ =	shalt  }
.Lfunc_end2:
_tile_overlayer_lowered:
.L_overlay_start_2:
0x181: {  	(tag) =	ssettag $0x2  }
0x182: {  	s0 =	rddreg [dreg:$0x0];
	s2 =	stileid.u32  }
0x183: {  	s1 =	rddreg [dreg:$0x1];
	p0 =	sne.s32 s2, $0x0  }
0x184: {  	s3 =	rddreg [dreg:$0x2];
	[bflag:$0x3] =	sbarrier.arrive $0xFFFF;
	s2 =	simm.s32 @!p0 $0x1C03  }
0x185: {  	[timem:s3], [sflag:s2] =	dma.local @!p0 [hbm:s0], s1  }
0x186: {  	s0 =	simm.s32 @!p0 $0x3  }
0x187: {  	_ =	swait.ge @!p0 [sflag:s0], s1  }
0x188: {  	s1 =	ssub.s32 @!p0 $0x0, s1;
	[sflag:s0] =	ssyncset.done @!p0 $0x0  }
0x189: {  	[sflag:s0] =	ssyncadd.s32 @!p0 s1  }
0x18a: {  	[bflag:$0x3] =	sbarrier.arrive $0xFFFF  }
0x18b: {  	_ =	shalt  }

</sc_bundles>
